<compile_context>
chip_gen: v7x
topology: tpu7x:2x2x1
jax: 0.10.2.dev20260603
libtpu: 0.0.44.dev20260713+nightly
codegen_flags: <defaults>
</compile_context>

<pallas_src>
import jax
import jax.numpy as jnp
from jax import lax
from jax.experimental import pallas as pl
from jax.experimental.pallas import tpu as pltpu
from jax.experimental.pallas import tpu_sc as plsc

M = 1048576
NUM_SAMPLES = 16
EPS = 1e-08
INV_S = 1.0 / NUM_SAMPLES

TC_ROWS = 8
SC_ROWS = NUM_SAMPLES - TC_ROWS

NC = 2
NS = 16
NW = NC * NS
CHUNK = M // NW
SUB = 4096
NSUB = CHUNK // SUB
LANES = 16

_LN2 = 0.6931471805599453
_SQRT2 = 1.4142135623730951

BLK = 65536
GRID = M // BLK


def _fast_log(r):
    bits = lax.bitcast_convert_type(r, jnp.int32)
    ef = (lax.shift_right_arithmetic(bits, 23) - 127).astype(jnp.float32)
    m = lax.bitcast_convert_type(
        lax.bitwise_or(lax.bitwise_and(bits, 0x007FFFFF), 0x3F800000),
        jnp.float32)
    cond = m > _SQRT2
    m = jnp.where(cond, m * 0.5, m)
    ef = jnp.where(cond, ef + 1.0, ef)
    t = (m - 1.0) / (m + 1.0)
    t2 = t * t
    ln_m = 2.0 * t * (1.0 + t2 * (1.0 / 3.0 + t2 * (1.0 / 5.0 + t2 * (1.0 / 7.0))))
    return ef * _LN2 + ln_m


def _sc_body(q_hbm, u_hbm, out_hbm, q_buf0, q_buf1, u_buf0, u_buf1, acc_buf,
             sem_q0, sem_q1, sem_u0, sem_u1, sem_out):
    wid = lax.axis_index("c") * NS + lax.axis_index("s")
    base = wid * CHUNK
    q_bufs = (q_buf0, q_buf1)
    u_bufs = (u_buf0, u_buf1)
    sem_q = (sem_q0, sem_q1)
    sem_u = (sem_u0, sem_u1)

    def start(off, b):
        pltpu.make_async_copy(
            q_hbm.at[pl.ds(off, SUB)], q_bufs[b], sem_q[b]).start()
        pltpu.make_async_copy(
            u_hbm.at[pl.ds(TC_ROWS, SC_ROWS), pl.ds(off, SUB)],
            u_bufs[b], sem_u[b]).start()

    def wait_for(b):
        pltpu.make_async_copy(
            q_hbm.at[pl.ds(0, SUB)], q_bufs[b], sem_q[b]).wait()
        pltpu.make_async_copy(
            u_hbm.at[pl.ds(TC_ROWS, SC_ROWS), pl.ds(0, SUB)],
            u_bufs[b], sem_u[b]).wait()

    def compute(b, acc):
        q_buf = q_bufs[b]
        u_buf = u_bufs[b]

        @plsc.parallel_loop(0, SUB, step=LANES, unroll=2, carry=acc)
        def body(o, acc):
            q16 = q_buf[pl.ds(o, LANES)]
            cnts = []
            for g in range(SC_ROWS // 4):
                c = jnp.zeros((LANES,), jnp.float32)
                for k in range(4 * g, 4 * g + 4):
                    u16 = u_buf[k, pl.ds(o, LANES)]
                    c = jnp.where(u16 < q16, c + 1.0, c)
                cnts.append(c)
            cnt = cnts[0] + cnts[1]
            p = jnp.clip(q16, EPS, 1.0 - EPS)
            w = _fast_log(p / (1.0 - p))
            return acc + (cnt * INV_S) * w

        return body

    start(base, 0)

    def outer(g, acc):
        for b in range(2):
            s = 2 * g + b
            wait_for(b)

            @pl.when(s + 1 < NSUB)
            def _prefetch():
                start(base + (s + 1) * SUB, 1 - b)

            acc = compute(b, acc)
        return acc

    acc = lax.fori_loop(0, NSUB // 2, outer, jnp.zeros((LANES,), jnp.float32))
    acc_buf[...] = acc
    out_copy = pltpu.make_async_copy(acc_buf, out_hbm.at[wid], sem_out)
    out_copy.start()
    out_copy.wait()


def _tc_block(q_ref, u_ref, out_ref):
    i = pl.program_id(0)
    q = q_ref[0]
    p = jnp.clip(q, EPS, 1.0 - EPS)
    w = jnp.log(p) - jnp.log(1.0 - p)
    u = u_ref[...]
    s_cnt = jnp.sum(jnp.where(u < q, w, 0.0))
    s = s_cnt * INV_S - jnp.sum(p * w)

    @pl.when(i == 0)
    def _init():
        out_ref[...] = jnp.zeros((1, 1), jnp.float32)

    out_ref[...] += s


@jax.jit
def _elbo(q_probs, u):
    mesh = plsc.VectorSubcoreMesh(core_axis_name="c", subcore_axis_name="s",
                                  num_cores=NC, num_subcores=NS)
    sc_partials = pl.kernel(
        _sc_body,
        out_type=jax.ShapeDtypeStruct((NW, LANES), jnp.float32),
        mesh=mesh,
        scratch_types=[
            pltpu.VMEM((SUB,), jnp.float32),
            pltpu.VMEM((SUB,), jnp.float32),
            pltpu.VMEM((SC_ROWS, SUB), jnp.float32),
            pltpu.VMEM((SC_ROWS, SUB), jnp.float32),
            pltpu.VMEM((LANES,), jnp.float32),
            pltpu.SemaphoreType.DMA,
            pltpu.SemaphoreType.DMA,
            pltpu.SemaphoreType.DMA,
            pltpu.SemaphoreType.DMA,
            pltpu.SemaphoreType.DMA,
        ],
    )(q_probs, u)

    q2 = q_probs.reshape(GRID, 1, BLK)
    tc_out = pl.pallas_call(
        _tc_block,
        grid=(GRID,),
        in_specs=[
            pl.BlockSpec((1, 1, BLK), lambda i: (i, 0, 0)),
            pl.BlockSpec((TC_ROWS, BLK), lambda i: (0, i)),
        ],
        out_specs=pl.BlockSpec((1, 1), lambda i: (0, 0)),
        out_shape=jax.ShapeDtypeStruct((1, 1), jnp.float32),
    )(q2, u)

    return tc_out[0, 0] + jnp.sum(sc_partials)


def kernel(q_probs, u):
    return _elbo(q_probs, u)

# --- scband reference (transcript-rebuilt; emitter-appended) ---
"""Pipeline reference for scband-elbocomputer-76390288327759 (READ-ONLY COPY).

The authoritative reference and input builder live on the scoring server;
editing this copy changes nothing except your own understanding.
"""

import jax, jax.numpy as jnp
import numpy as np

M = 1048576
NUM_SAMPLES = 16
EPS = 1e-08


def setup_inputs(seed: int = 0) -> dict:
    key = jax.random.key(seed)
    k1, k2 = jax.random.split(key)
    q_probs = jax.random.uniform(k1, (M,), dtype=jnp.float32)
    u = jax.random.uniform(k2, (NUM_SAMPLES, M), dtype=jnp.float32)
    return {"q_probs": q_probs, "u": u}


def reference(q_probs, u):
    # Entropy term (Eq. 5, second term): -sum[ q log q + (1-q) log(1-q) ]
    p = jnp.clip(q_probs, EPS, 1.0 - EPS)
    log_p = jnp.log(p)
    log_1mp = jnp.log(1.0 - p)
    entropy = -(p * log_p + (1.0 - p) * log_1mp)
    entropy_term = jnp.sum(entropy)

    # _sample_possible_worlds: vectorized Bernoulli draws over unknown facts
    # (torch.bernoulli(probs) == (u < probs) with u ~ U[0,1))
    samples = (u < q_probs[None, :]).astype(jnp.float32)

    # Monte-Carlo joint/world log-probability term (cf. _compute_world_q_probability):
    # log Q(U) = sum_k [ u_k log p_k + (1-u_k) log(1-p_k) ], averaged over sampled worlds
    log_q_world = samples * log_p[None, :] + (1.0 - samples) * log_1mp[None, :]
    joint_term = jnp.mean(jnp.sum(log_q_world, axis=1))

    elbo = joint_term + entropy_term
    return elbo

if __name__ == "__main__":
    import jax
    _d = setup_inputs()
    print(jax.jit(kernel)(*tuple(_d.values())))

</pallas_src>

<mosaic_0001>
#map = affine_map<(d0, d1) -> (0)>
#map1 = affine_map<(d0, d1) -> (0, 0)>
module attributes {stable_mosaic.version = 14 : i64} {
  func.func @_sc_body(%arg0: i32, %arg1: i32, %arg2: memref<1048576xf32, #tpu.memory_space<hbm>>, %arg3: memref<16x1048576xf32, #tpu.memory_space<hbm>>, %arg4: memref<32x16xf32, #tpu.memory_space<hbm>>, %arg5: memref<4096xf32, #tpu.memory_space<vmem>>, %arg6: memref<4096xf32, #tpu.memory_space<vmem>>, %arg7: memref<8x4096xf32, #tpu.memory_space<vmem>>, %arg8: memref<8x4096xf32, #tpu.memory_space<vmem>>, %arg9: memref<16xf32, #tpu.memory_space<vmem>>, %arg10: memref<!tpu.dma_semaphore, #tpu.memory_space<semaphore_mem>>, %arg11: memref<!tpu.dma_semaphore, #tpu.memory_space<semaphore_mem>>, %arg12: memref<!tpu.dma_semaphore, #tpu.memory_space<semaphore_mem>>, %arg13: memref<!tpu.dma_semaphore, #tpu.memory_space<semaphore_mem>>, %arg14: memref<!tpu.dma_semaphore, #tpu.memory_space<semaphore_mem>>) attributes {dimension_semantics = [#tpu.dimension_semantics<core_parallel>, #tpu.dimension_semantics<subcore_parallel>], iteration_bounds = array<i64: 2, 16>, scalar_prefetch = 0 : i64, scratch_operands = 10 : i64, tpu.core_type = #tpu.core_type<sc_vector_subcore>, window_params = [{transform_indices = #map}, {transform_indices = #map1}, {transform_indices = #map1}]} {
    %mul3A = arith.constant 16 : i32
    %mul3A_0 = arith.muli %arg0, %mul3A : i32
    %add3A = arith.addi %mul3A_0, %arg1 : i32
    %mul3A_1 = arith.constant 32768 : i32
    %mul3A_2 = arith.muli %add3A, %mul3A_1 : i32
    %dma_start3A = tpu.memref_slice %arg2[%mul3A_2] : memref<1048576xf32, #tpu.memory_space<hbm>> -> memref<4096xf32, #tpu.memory_space<hbm>>
    %dma_start3A_3 = tpu.memref_slice %arg2[%mul3A_2] : memref<1048576xf32, #tpu.memory_space<hbm>> -> memref<4096xf32, #tpu.memory_space<hbm>>
    tpu.enqueue_dma source(%dma_start3A_3 : memref<4096xf32, #tpu.memory_space<hbm>>) target(%arg5 : memref<4096xf32, #tpu.memory_space<vmem>>) target_semaphore(%arg10 : memref<!tpu.dma_semaphore, #tpu.memory_space<semaphore_mem>>)
    %dma_start3A_4 = arith.constant 8 : i32
    %dma_start3A_5 = tpu.memref_slice %arg3[%dma_start3A_4, %mul3A_2] : memref<16x1048576xf32, #tpu.memory_space<hbm>> -> memref<8x4096xf32, #tpu.memory_space<hbm>>
    %dma_start3A_6 = arith.constant 8 : i32
    %dma_start3A_7 = tpu.memref_slice %arg3[%dma_start3A_6, %mul3A_2] : memref<16x1048576xf32, #tpu.memory_space<hbm>> -> memref<8x4096xf32, #tpu.memory_space<hbm>>
    tpu.enqueue_dma source(%dma_start3A_7 : memref<8x4096xf32, #tpu.memory_space<hbm>>) target(%arg7 : memref<8x4096xf32, #tpu.memory_space<vmem>>) target_semaphore(%arg12 : memref<!tpu.dma_semaphore, #tpu.memory_space<semaphore_mem>>)
    %broadcast_in_dim3A = arith.constant 0.000000e+00 : f32
    %broadcast_in_dim3A_8 = vector.broadcast %broadcast_in_dim3A : f32 to vector<16xf32>
    %scan3A = arith.constant 0 : i32
    %scan3A_9 = arith.constant 4 : i32
    %scan3A_10 = arith.addi %scan3A, %scan3A_9 : i32
    %scan3A_11 = arith.constant 1 : i32
    %scan3A_12 = scf.for %scan3A_28 = %scan3A to %scan3A_10 step %scan3A_11 iter_args(%scan3A_29 = %broadcast_in_dim3A_8) -> (vector<16xf32>)  : i32 {
      %mul3A_30 = arith.constant 2 : i32
      %mul3A_31 = arith.muli %mul3A_30, %scan3A_28 : i32
      %add3A_32 = arith.constant 0 : i32
      %add3A_33 = arith.addi %mul3A_31, %add3A_32 : i32
      %dma_wait3A_34 = arith.constant 0 : i32
      %dma_wait3A_35 = tpu.memref_slice %arg2[%dma_wait3A_34] : memref<1048576xf32, #tpu.memory_space<hbm>> -> memref<4096xf32, #tpu.memory_space<hbm>>
      %dma_wait3A_36 = arith.constant 0 : i32
      %dma_wait3A_37 = tpu.memref_slice %arg2[%dma_wait3A_36] : memref<1048576xf32, #tpu.memory_space<hbm>> -> memref<4096xf32, #tpu.memory_space<hbm>>
      tpu.wait_dma2 semaphore(%arg10 : memref<!tpu.dma_semaphore, #tpu.memory_space<semaphore_mem>>) src(%dma_wait3A_37 : memref<4096xf32, #tpu.memory_space<hbm>>) dst(%arg5 : memref<4096xf32, #tpu.memory_space<vmem>>)
      %dma_wait3A_38 = arith.constant 8 : i32
      %dma_wait3A_39 = arith.constant 0 : i32
      %dma_wait3A_40 = tpu.memref_slice %arg3[%dma_wait3A_38, %dma_wait3A_39] : memref<16x1048576xf32, #tpu.memory_space<hbm>> -> memref<8x4096xf32, #tpu.memory_space<hbm>>
      %dma_wait3A_41 = arith.constant 8 : i32
      %dma_wait3A_42 = arith.constant 0 : i32
      %dma_wait3A_43 = tpu.memref_slice %arg3[%dma_wait3A_41, %dma_wait3A_42] : memref<16x1048576xf32, #tpu.memory_space<hbm>> -> memref<8x4096xf32, #tpu.memory_space<hbm>>
      tpu.wait_dma2 semaphore(%arg12 : memref<!tpu.dma_semaphore, #tpu.memory_space<semaphore_mem>>) src(%dma_wait3A_43 : memref<8x4096xf32, #tpu.memory_space<hbm>>) dst(%arg7 : memref<8x4096xf32, #tpu.memory_space<vmem>>)
      %add3A_44 = arith.constant 1 : i32
      %add3A_45 = arith.addi %add3A_33, %add3A_44 : i32
      %lt3A = arith.constant 8 : i32
      %lt3A_46 = arith.cmpi slt, %add3A_45, %lt3A : i32
      %convert_element_type3A = arith.extui %lt3A_46 : i1 to i32
      %cond3A = arith.constant 0 : i32
      %cond3A_47 = arith.cmpi ne, %convert_element_type3A, %cond3A : i32
      scf.if %cond3A_47 {
        %add3A_76 = arith.constant 1 : i32
        %add3A_77 = arith.addi %add3A_33, %add3A_76 : i32
        %mul3A_78 = arith.constant 4096 : i32
        %mul3A_79 = arith.muli %add3A_77, %mul3A_78 : i32
        %add3A_80 = arith.addi %mul3A_2, %mul3A_79 : i32
        %dma_start3A_81 = tpu.memref_slice %arg2[%add3A_80] : memref<1048576xf32, #tpu.memory_space<hbm>> -> memref<4096xf32, #tpu.memory_space<hbm>>
        %dma_start3A_82 = tpu.memref_slice %arg2[%add3A_80] : memref<1048576xf32, #tpu.memory_space<hbm>> -> memref<4096xf32, #tpu.memory_space<hbm>>
        tpu.enqueue_dma source(%dma_start3A_82 : memref<4096xf32, #tpu.memory_space<hbm>>) target(%arg6 : memref<4096xf32, #tpu.memory_space<vmem>>) target_semaphore(%arg11 : memref<!tpu.dma_semaphore, #tpu.memory_space<semaphore_mem>>)
        %dma_start3A_83 = arith.constant 8 : i32
        %dma_start3A_84 = tpu.memref_slice %arg3[%dma_start3A_83, %add3A_80] : memref<16x1048576xf32, #tpu.memory_space<hbm>> -> memref<8x4096xf32, #tpu.memory_space<hbm>>
        %dma_start3A_85 = arith.constant 8 : i32
        %dma_start3A_86 = tpu.memref_slice %arg3[%dma_start3A_85, %add3A_80] : memref<16x1048576xf32, #tpu.memory_space<hbm>> -> memref<8x4096xf32, #tpu.memory_space<hbm>>
        tpu.enqueue_dma source(%dma_start3A_86 : memref<8x4096xf32, #tpu.memory_space<hbm>>) target(%arg8 : memref<8x4096xf32, #tpu.memory_space<vmem>>) target_semaphore(%arg13 : memref<!tpu.dma_semaphore, #tpu.memory_space<semaphore_mem>>)
      } else {
      }
      %parallel_loop3A = arith.constant 0 : i32
      %parallel_loop3A_48 = arith.constant 4096 : i32
      %parallel_loop3A_49 = arith.constant 16 : i32
      %parallel_loop3A_50 = scf.for %parallel_loop3A_76 = %parallel_loop3A to %parallel_loop3A_48 step %parallel_loop3A_49 iter_args(%parallel_loop3A_77 = %scan3A_29) -> (vector<16xf32>)  : i32 {
        %parallel_loop3A_78 = arith.index_cast %parallel_loop3A_76 : i32 to index
        %parallel_loop3A_79 = tpu.vector_load %arg5[%parallel_loop3A_78] {strides = array<i32>} : memref<4096xf32, #tpu.memory_space<vmem>>, vector<16xf32>,
        %parallel_loop3A_80 = vector.shape_cast %parallel_loop3A_79 : vector<16xf32> to vector<16xf32>
        %parallel_loop3A_81 = arith.constant 0.000000e+00 : f32
        %parallel_loop3A_82 = vector.broadcast %parallel_loop3A_81 : f32 to vector<16xf32>
        %parallel_loop3A_83 = arith.constant 0 : i32
        %parallel_loop3A_84 = arith.index_cast %parallel_loop3A_83 : i32 to index
        %parallel_loop3A_85 = arith.index_cast %parallel_loop3A_76 : i32 to index
        %parallel_loop3A_86 = tpu.vector_load %arg7[%parallel_loop3A_84, %parallel_loop3A_85] {strides = array<i32>} : memref<8x4096xf32, #tpu.memory_space<vmem>>, vector<1x16xf32>,
        %parallel_loop3A_87 = vector.shape_cast %parallel_loop3A_86 : vector<1x16xf32> to vector<16xf32>
        %parallel_loop3A_88 = arith.cmpf olt, %parallel_loop3A_87, %parallel_loop3A_80 : vector<16xf32>
        %parallel_loop3A_89 = arith.constant 1.000000e+00 : f32
        %parallel_loop3A_90 = vector.broadcast %parallel_loop3A_89 : f32 to vector<16xf32>
        %parallel_loop3A_91 = arith.addf %parallel_loop3A_82, %parallel_loop3A_90 : vector<16xf32>
        %parallel_loop3A_92 = arith.select %parallel_loop3A_88, %parallel_loop3A_91, %parallel_loop3A_82 : vector<16xi1>, vector<16xf32>
        %parallel_loop3A_93 = arith.constant 1 : i32
        %parallel_loop3A_94 = arith.index_cast %parallel_loop3A_93 : i32 to index
        %parallel_loop3A_95 = arith.index_cast %parallel_loop3A_76 : i32 to index
        %parallel_loop3A_96 = tpu.vector_load %arg7[%parallel_loop3A_94, %parallel_loop3A_95] {strides = array<i32>} : memref<8x4096xf32, #tpu.memory_space<vmem>>, vector<1x16xf32>,
        %parallel_loop3A_97 = vector.shape_cast %parallel_loop3A_96 : vector<1x16xf32> to vector<16xf32>
        %parallel_loop3A_98 = arith.cmpf olt, %parallel_loop3A_97, %parallel_loop3A_80 : vector<16xf32>
        %parallel_loop3A_99 = arith.constant 1.000000e+00 : f32
        %parallel_loop3A_100 = vector.broadcast %parallel_loop3A_99 : f32 to vector<16xf32>
        %parallel_loop3A_101 = arith.addf %parallel_loop3A_92, %parallel_loop3A_100 : vector<16xf32>
        %parallel_loop3A_102 = arith.select %parallel_loop3A_98, %parallel_loop3A_101, %parallel_loop3A_92 : vector<16xi1>, vector<16xf32>
        %parallel_loop3A_103 = arith.constant 2 : i32
        %parallel_loop3A_104 = arith.index_cast %parallel_loop3A_103 : i32 to index
        %parallel_loop3A_105 = arith.index_cast %parallel_loop3A_76 : i32 to index
        %parallel_loop3A_106 = tpu.vector_load %arg7[%parallel_loop3A_104, %parallel_loop3A_105] {strides = array<i32>} : memref<8x4096xf32, #tpu.memory_space<vmem>>, vector<1x16xf32>,
        %parallel_loop3A_107 = vector.shape_cast %parallel_loop3A_106 : vector<1x16xf32> to vector<16xf32>
        %parallel_loop3A_108 = arith.cmpf olt, %parallel_loop3A_107, %parallel_loop3A_80 : vector<16xf32>
        %parallel_loop3A_109 = arith.constant 1.000000e+00 : f32
        %parallel_loop3A_110 = vector.broadcast %parallel_loop3A_109 : f32 to vector<16xf32>
        %parallel_loop3A_111 = arith.addf %parallel_loop3A_102, %parallel_loop3A_110 : vector<16xf32>
        %parallel_loop3A_112 = arith.select %parallel_loop3A_108, %parallel_loop3A_111, %parallel_loop3A_102 : vector<16xi1>, vector<16xf32>
        %parallel_loop3A_113 = arith.constant 3 : i32
        %parallel_loop3A_114 = arith.index_cast %parallel_loop3A_113 : i32 to index
        %parallel_loop3A_115 = arith.index_cast %parallel_loop3A_76 : i32 to index
        %parallel_loop3A_116 = tpu.vector_load %arg7[%parallel_loop3A_114, %parallel_loop3A_115] {strides = array<i32>} : memref<8x4096xf32, #tpu.memory_space<vmem>>, vector<1x16xf32>,
        %parallel_loop3A_117 = vector.shape_cast %parallel_loop3A_116 : vector<1x16xf32> to vector<16xf32>
        %parallel_loop3A_118 = arith.cmpf olt, %parallel_loop3A_117, %parallel_loop3A_80 : vector<16xf32>
        %parallel_loop3A_119 = arith.constant 1.000000e+00 : f32
        %parallel_loop3A_120 = vector.broadcast %parallel_loop3A_119 : f32 to vector<16xf32>
        %parallel_loop3A_121 = arith.addf %parallel_loop3A_112, %parallel_loop3A_120 : vector<16xf32>
        %parallel_loop3A_122 = arith.select %parallel_loop3A_118, %parallel_loop3A_121, %parallel_loop3A_112 : vector<16xi1>, vector<16xf32>
        %parallel_loop3A_123 = arith.constant 0.000000e+00 : f32
        %parallel_loop3A_124 = vector.broadcast %parallel_loop3A_123 : f32 to vector<16xf32>
        %parallel_loop3A_125 = arith.constant 4 : i32
        %parallel_loop3A_126 = arith.index_cast %parallel_loop3A_125 : i32 to index
        %parallel_loop3A_127 = arith.index_cast %parallel_loop3A_76 : i32 to index
        %parallel_loop3A_128 = tpu.vector_load %arg7[%parallel_loop3A_126, %parallel_loop3A_127] {strides = array<i32>} : memref<8x4096xf32, #tpu.memory_space<vmem>>, vector<1x16xf32>,
        %parallel_loop3A_129 = vector.shape_cast %parallel_loop3A_128 : vector<1x16xf32> to vector<16xf32>
        %parallel_loop3A_130 = arith.cmpf olt, %parallel_loop3A_129, %parallel_loop3A_80 : vector<16xf32>
        %parallel_loop3A_131 = arith.constant 1.000000e+00 : f32
        %parallel_loop3A_132 = vector.broadcast %parallel_loop3A_131 : f32 to vector<16xf32>
        %parallel_loop3A_133 = arith.addf %parallel_loop3A_124, %parallel_loop3A_132 : vector<16xf32>
        %parallel_loop3A_134 = arith.select %parallel_loop3A_130, %parallel_loop3A_133, %parallel_loop3A_124 : vector<16xi1>, vector<16xf32>
        %parallel_loop3A_135 = arith.constant 5 : i32
        %parallel_loop3A_136 = arith.index_cast %parallel_loop3A_135 : i32 to index
        %parallel_loop3A_137 = arith.index_cast %parallel_loop3A_76 : i32 to index
        %parallel_loop3A_138 = tpu.vector_load %arg7[%parallel_loop3A_136, %parallel_loop3A_137] {strides = array<i32>} : memref<8x4096xf32, #tpu.memory_space<vmem>>, vector<1x16xf32>,
        %parallel_loop3A_139 = vector.shape_cast %parallel_loop3A_138 : vector<1x16xf32> to vector<16xf32>
        %parallel_loop3A_140 = arith.cmpf olt, %parallel_loop3A_139, %parallel_loop3A_80 : vector<16xf32>
        %parallel_loop3A_141 = arith.constant 1.000000e+00 : f32
        %parallel_loop3A_142 = vector.broadcast %parallel_loop3A_141 : f32 to vector<16xf32>
        %parallel_loop3A_143 = arith.addf %parallel_loop3A_134, %parallel_loop3A_142 : vector<16xf32>
        %parallel_loop3A_144 = arith.select %parallel_loop3A_140, %parallel_loop3A_143, %parallel_loop3A_134 : vector<16xi1>, vector<16xf32>
        %parallel_loop3A_145 = arith.constant 6 : i32
        %parallel_loop3A_146 = arith.index_cast %parallel_loop3A_145 : i32 to index
        %parallel_loop3A_147 = arith.index_cast %parallel_loop3A_76 : i32 to index
        %parallel_loop3A_148 = tpu.vector_load %arg7[%parallel_loop3A_146, %parallel_loop3A_147] {strides = array<i32>} : memref<8x4096xf32, #tpu.memory_space<vmem>>, vector<1x16xf32>,
        %parallel_loop3A_149 = vector.shape_cast %parallel_loop3A_148 : vector<1x16xf32> to vector<16xf32>
        %parallel_loop3A_150 = arith.cmpf olt, %parallel_loop3A_149, %parallel_loop3A_80 : vector<16xf32>
        %parallel_loop3A_151 = arith.constant 1.000000e+00 : f32
        %parallel_loop3A_152 = vector.broadcast %parallel_loop3A_151 : f32 to vector<16xf32>
        %parallel_loop3A_153 = arith.addf %parallel_loop3A_144, %parallel_loop3A_152 : vector<16xf32>
        %parallel_loop3A_154 = arith.select %parallel_loop3A_150, %parallel_loop3A_153, %parallel_loop3A_144 : vector<16xi1>, vector<16xf32>
        %parallel_loop3A_155 = arith.constant 7 : i32
        %parallel_loop3A_156 = arith.index_cast %parallel_loop3A_155 : i32 to index
        %parallel_loop3A_157 = arith.index_cast %parallel_loop3A_76 : i32 to index
        %parallel_loop3A_158 = tpu.vector_load %arg7[%parallel_loop3A_156, %parallel_loop3A_157] {strides = array<i32>} : memref<8x4096xf32, #tpu.memory_space<vmem>>, vector<1x16xf32>,
        %parallel_loop3A_159 = vector.shape_cast %parallel_loop3A_158 : vector<1x16xf32> to vector<16xf32>
        %parallel_loop3A_160 = arith.cmpf olt, %parallel_loop3A_159, %parallel_loop3A_80 : vector<16xf32>
        %parallel_loop3A_161 = arith.constant 1.000000e+00 : f32
        %parallel_loop3A_162 = vector.broadcast %parallel_loop3A_161 : f32 to vector<16xf32>
        %parallel_loop3A_163 = arith.addf %parallel_loop3A_154, %parallel_loop3A_162 : vector<16xf32>
        %parallel_loop3A_164 = arith.select %parallel_loop3A_160, %parallel_loop3A_163, %parallel_loop3A_154 : vector<16xi1>, vector<16xf32>
        %parallel_loop3A_165 = arith.addf %parallel_loop3A_122, %parallel_loop3A_164 : vector<16xf32>
        %parallel_loop3A_166 = arith.constant 9.99999993E-9 : f32
        %parallel_loop3A_167 = arith.constant 1.000000e+00 : f32
        %parallel_loop3A_168 = vector.broadcast %parallel_loop3A_166 : f32 to vector<16xf32>
        %parallel_loop3A_169 = arith.maximumf %parallel_loop3A_168, %parallel_loop3A_80 : vector<16xf32>
        %parallel_loop3A_170 = vector.broadcast %parallel_loop3A_167 : f32 to vector<16xf32>
        %parallel_loop3A_171 = arith.minimumf %parallel_loop3A_170, %parallel_loop3A_169 : vector<16xf32>
        %parallel_loop3A_172 = arith.constant 1.000000e+00 : f32
        %parallel_loop3A_173 = vector.broadcast %parallel_loop3A_172 : f32 to vector<16xf32>
        %parallel_loop3A_174 = arith.subf %parallel_loop3A_173, %parallel_loop3A_171 : vector<16xf32>
        %parallel_loop3A_175 = arith.divf %parallel_loop3A_171, %parallel_loop3A_174 : vector<16xf32>
        %parallel_loop3A_176 = tpu.bitcast %parallel_loop3A_175 : vector<16xf32> -> vector<16xi32>
        %parallel_loop3A_177 = arith.constant 23 : i32
        %parallel_loop3A_178 = vector.broadcast %parallel_loop3A_177 : i32 to vector<16xi32>
        %parallel_loop3A_179 = arith.shrsi %parallel_loop3A_176, %parallel_loop3A_178 : vector<16xi32>
        %parallel_loop3A_180 = arith.constant 127 : i32
        %parallel_loop3A_181 = vector.broadcast %parallel_loop3A_180 : i32 to vector<16xi32>
        %parallel_loop3A_182 = arith.subi %parallel_loop3A_179, %parallel_loop3A_181 : vector<16xi32>
        %parallel_loop3A_183 = arith.sitofp %parallel_loop3A_182 : vector<16xi32> to vector<16xf32>
        %parallel_loop3A_184 = arith.constant 8388607 : i32
        %parallel_loop3A_185 = vector.broadcast %parallel_loop3A_184 : i32 to vector<16xi32>
        %parallel_loop3A_186 = arith.andi %parallel_loop3A_176, %parallel_loop3A_185 : vector<16xi32>
        %parallel_loop3A_187 = arith.constant 1065353216 : i32
        %parallel_loop3A_188 = vector.broadcast %parallel_loop3A_187 : i32 to vector<16xi32>
        %parallel_loop3A_189 = arith.ori %parallel_loop3A_186, %parallel_loop3A_188 : vector<16xi32>
        %parallel_loop3A_190 = tpu.bitcast %parallel_loop3A_189 : vector<16xi32> -> vector<16xf32>
        %parallel_loop3A_191 = arith.constant 1.41421354 : f32
        %parallel_loop3A_192 = vector.broadcast %parallel_loop3A_191 : f32 to vector<16xf32>
        %parallel_loop3A_193 = arith.cmpf ogt, %parallel_loop3A_190, %parallel_loop3A_192 : vector<16xf32>
        %parallel_loop3A_194 = arith.constant 5.000000e-01 : f32
        %parallel_loop3A_195 = vector.broadcast %parallel_loop3A_194 : f32 to vector<16xf32>
        %parallel_loop3A_196 = arith.mulf %parallel_loop3A_190, %parallel_loop3A_195 : vector<16xf32>
        %parallel_loop3A_197 = arith.select %parallel_loop3A_193, %parallel_loop3A_196, %parallel_loop3A_190 : vector<16xi1>, vector<16xf32>
        %parallel_loop3A_198 = arith.constant 1.000000e+00 : f32
        %parallel_loop3A_199 = vector.broadcast %parallel_loop3A_198 : f32 to vector<16xf32>
        %parallel_loop3A_200 = arith.addf %parallel_loop3A_183, %parallel_loop3A_199 : vector<16xf32>
        %parallel_loop3A_201 = arith.select %parallel_loop3A_193, %parallel_loop3A_200, %parallel_loop3A_183 : vector<16xi1>, vector<16xf32>
        %parallel_loop3A_202 = arith.constant 1.000000e+00 : f32
        %parallel_loop3A_203 = vector.broadcast %parallel_loop3A_202 : f32 to vector<16xf32>
        %parallel_loop3A_204 = arith.subf %parallel_loop3A_197, %parallel_loop3A_203 : vector<16xf32>
        %parallel_loop3A_205 = arith.constant 1.000000e+00 : f32
        %parallel_loop3A_206 = vector.broadcast %parallel_loop3A_205 : f32 to vector<16xf32>
        %parallel_loop3A_207 = arith.addf %parallel_loop3A_197, %parallel_loop3A_206 : vector<16xf32>
        %parallel_loop3A_208 = arith.divf %parallel_loop3A_204, %parallel_loop3A_207 : vector<16xf32>
        %parallel_loop3A_209 = arith.mulf %parallel_loop3A_208, %parallel_loop3A_208 : vector<16xf32>
        %parallel_loop3A_210 = arith.constant 2.000000e+00 : f32
        %parallel_loop3A_211 = vector.broadcast %parallel_loop3A_210 : f32 to vector<16xf32>
        %parallel_loop3A_212 = arith.mulf %parallel_loop3A_211, %parallel_loop3A_208 : vector<16xf32>
        %parallel_loop3A_213 = arith.constant 0.142857149 : f32
        %parallel_loop3A_214 = vector.broadcast %parallel_loop3A_213 : f32 to vector<16xf32>
        %parallel_loop3A_215 = arith.mulf %parallel_loop3A_209, %parallel_loop3A_214 : vector<16xf32>
        %parallel_loop3A_216 = arith.constant 2.000000e-01 : f32
        %parallel_loop3A_217 = vector.broadcast %parallel_loop3A_216 : f32 to vector<16xf32>
        %parallel_loop3A_218 = arith.addf %parallel_loop3A_217, %parallel_loop3A_215 : vector<16xf32>
        %parallel_loop3A_219 = arith.mulf %parallel_loop3A_209, %parallel_loop3A_218 : vector<16xf32>
        %parallel_loop3A_220 = arith.constant 0.333333343 : f32
        %parallel_loop3A_221 = vector.broadcast %parallel_loop3A_220 : f32 to vector<16xf32>
        %parallel_loop3A_222 = arith.addf %parallel_loop3A_221, %parallel_loop3A_219 : vector<16xf32>
        %parallel_loop3A_223 = arith.mulf %parallel_loop3A_209, %parallel_loop3A_222 : vector<16xf32>
        %parallel_loop3A_224 = arith.constant 1.000000e+00 : f32
        %parallel_loop3A_225 = vector.broadcast %parallel_loop3A_224 : f32 to vector<16xf32>
        %parallel_loop3A_226 = arith.addf %parallel_loop3A_225, %parallel_loop3A_223 : vector<16xf32>
        %parallel_loop3A_227 = arith.mulf %parallel_loop3A_212, %parallel_loop3A_226 : vector<16xf32>
        %parallel_loop3A_228 = arith.constant 0.693147182 : f32
        %parallel_loop3A_229 = vector.broadcast %parallel_loop3A_228 : f32 to vector<16xf32>
        %parallel_loop3A_230 = arith.mulf %parallel_loop3A_201, %parallel_loop3A_229 : vector<16xf32>
        %parallel_loop3A_231 = arith.addf %parallel_loop3A_230, %parallel_loop3A_227 : vector<16xf32>
        %parallel_loop3A_232 = arith.constant 6.250000e-02 : f32
        %parallel_loop3A_233 = vector.broadcast %parallel_loop3A_232 : f32 to vector<16xf32>
        %parallel_loop3A_234 = arith.mulf %parallel_loop3A_165, %parallel_loop3A_233 : vector<16xf32>
        %parallel_loop3A_235 = arith.mulf %parallel_loop3A_234, %parallel_loop3A_231 : vector<16xf32>
        %parallel_loop3A_236 = arith.addf %parallel_loop3A_77, %parallel_loop3A_235 : vector<16xf32>
        scf.yield %parallel_loop3A_236 : vector<16xf32>
      } {sc.loop_unroll_factor = 2 : i64, sc.parallel_access}
      %mul3A_51 = arith.constant 2 : i32
      %mul3A_52 = arith.muli %mul3A_51, %scan3A_28 : i32
      %add3A_53 = arith.constant 1 : i32
      %add3A_54 = arith.addi %mul3A_52, %add3A_53 : i32
      %dma_wait3A_55 = arith.constant 0 : i32
      %dma_wait3A_56 = tpu.memref_slice %arg2[%dma_wait3A_55] : memref<1048576xf32, #tpu.memory_space<hbm>> -> memref<4096xf32, #tpu.memory_space<hbm>>
      %dma_wait3A_57 = arith.constant 0 : i32
      %dma_wait3A_58 = tpu.memref_slice %arg2[%dma_wait3A_57] : memref<1048576xf32, #tpu.memory_space<hbm>> -> memref<4096xf32, #tpu.memory_space<hbm>>
      tpu.wait_dma2 semaphore(%arg11 : memref<!tpu.dma_semaphore, #tpu.memory_space<semaphore_mem>>) src(%dma_wait3A_58 : memref<4096xf32, #tpu.memory_space<hbm>>) dst(%arg6 : memref<4096xf32, #tpu.memory_space<vmem>>)
      %dma_wait3A_59 = arith.constant 8 : i32
      %dma_wait3A_60 = arith.constant 0 : i32
      %dma_wait3A_61 = tpu.memref_slice %arg3[%dma_wait3A_59, %dma_wait3A_60] : memref<16x1048576xf32, #tpu.memory_space<hbm>> -> memref<8x4096xf32, #tpu.memory_space<hbm>>
      %dma_wait3A_62 = arith.constant 8 : i32
      %dma_wait3A_63 = arith.constant 0 : i32
      %dma_wait3A_64 = tpu.memref_slice %arg3[%dma_wait3A_62, %dma_wait3A_63] : memref<16x1048576xf32, #tpu.memory_space<hbm>> -> memref<8x4096xf32, #tpu.memory_space<hbm>>
      tpu.wait_dma2 semaphore(%arg13 : memref<!tpu.dma_semaphore, #tpu.memory_space<semaphore_mem>>) src(%dma_wait3A_64 : memref<8x4096xf32, #tpu.memory_space<hbm>>) dst(%arg8 : memref<8x4096xf32, #tpu.memory_space<vmem>>)
      %add3A_65 = arith.constant 1 : i32
      %add3A_66 = arith.addi %add3A_54, %add3A_65 : i32
      %lt3A_67 = arith.constant 8 : i32
      %lt3A_68 = arith.cmpi slt, %add3A_66, %lt3A_67 : i32
      %convert_element_type3A_69 = arith.extui %lt3A_68 : i1 to i32
      %cond3A_70 = arith.constant 0 : i32
      %cond3A_71 = arith.cmpi ne, %convert_element_type3A_69, %cond3A_70 : i32
      scf.if %cond3A_71 {
        %add3A_76 = arith.constant 1 : i32
        %add3A_77 = arith.addi %add3A_54, %add3A_76 : i32
        %mul3A_78 = arith.constant 4096 : i32
        %mul3A_79 = arith.muli %add3A_77, %mul3A_78 : i32
        %add3A_80 = arith.addi %mul3A_2, %mul3A_79 : i32
        %dma_start3A_81 = tpu.memref_slice %arg2[%add3A_80] : memref<1048576xf32, #tpu.memory_space<hbm>> -> memref<4096xf32, #tpu.memory_space<hbm>>
        %dma_start3A_82 = tpu.memref_slice %arg2[%add3A_80] : memref<1048576xf32, #tpu.memory_space<hbm>> -> memref<4096xf32, #tpu.memory_space<hbm>>
        tpu.enqueue_dma source(%dma_start3A_82 : memref<4096xf32, #tpu.memory_space<hbm>>) target(%arg5 : memref<4096xf32, #tpu.memory_space<vmem>>) target_semaphore(%arg10 : memref<!tpu.dma_semaphore, #tpu.memory_space<semaphore_mem>>)
        %dma_start3A_83 = arith.constant 8 : i32
        %dma_start3A_84 = tpu.memref_slice %arg3[%dma_start3A_83, %add3A_80] : memref<16x1048576xf32, #tpu.memory_space<hbm>> -> memref<8x4096xf32, #tpu.memory_space<hbm>>
        %dma_start3A_85 = arith.constant 8 : i32
        %dma_start3A_86 = tpu.memref_slice %arg3[%dma_start3A_85, %add3A_80] : memref<16x1048576xf32, #tpu.memory_space<hbm>> -> memref<8x4096xf32, #tpu.memory_space<hbm>>
        tpu.enqueue_dma source(%dma_start3A_86 : memref<8x4096xf32, #tpu.memory_space<hbm>>) target(%arg7 : memref<8x4096xf32, #tpu.memory_space<vmem>>) target_semaphore(%arg12 : memref<!tpu.dma_semaphore, #tpu.memory_space<semaphore_mem>>)
      } else {
      }
      %parallel_loop3A_72 = arith.constant 0 : i32
      %parallel_loop3A_73 = arith.constant 4096 : i32
      %parallel_loop3A_74 = arith.constant 16 : i32
      %parallel_loop3A_75 = scf.for %parallel_loop3A_76 = %parallel_loop3A_72 to %parallel_loop3A_73 step %parallel_loop3A_74 iter_args(%parallel_loop3A_77 = %parallel_loop3A_50) -> (vector<16xf32>)  : i32 {
        %parallel_loop3A_78 = arith.index_cast %parallel_loop3A_76 : i32 to index
        %parallel_loop3A_79 = tpu.vector_load %arg6[%parallel_loop3A_78] {strides = array<i32>} : memref<4096xf32, #tpu.memory_space<vmem>>, vector<16xf32>,
        %parallel_loop3A_80 = vector.shape_cast %parallel_loop3A_79 : vector<16xf32> to vector<16xf32>
        %parallel_loop3A_81 = arith.constant 0.000000e+00 : f32
        %parallel_loop3A_82 = vector.broadcast %parallel_loop3A_81 : f32 to vector<16xf32>
        %parallel_loop3A_83 = arith.constant 0 : i32
        %parallel_loop3A_84 = arith.index_cast %parallel_loop3A_83 : i32 to index
        %parallel_loop3A_85 = arith.index_cast %parallel_loop3A_76 : i32 to index
        %parallel_loop3A_86 = tpu.vector_load %arg8[%parallel_loop3A_84, %parallel_loop3A_85] {strides = array<i32>} : memref<8x4096xf32, #tpu.memory_space<vmem>>, vector<1x16xf32>,
        %parallel_loop3A_87 = vector.shape_cast %parallel_loop3A_86 : vector<1x16xf32> to vector<16xf32>
        %parallel_loop3A_88 = arith.cmpf olt, %parallel_loop3A_87, %parallel_loop3A_80 : vector<16xf32>
        %parallel_loop3A_89 = arith.constant 1.000000e+00 : f32
        %parallel_loop3A_90 = vector.broadcast %parallel_loop3A_89 : f32 to vector<16xf32>
        %parallel_loop3A_91 = arith.addf %parallel_loop3A_82, %parallel_loop3A_90 : vector<16xf32>
        %parallel_loop3A_92 = arith.select %parallel_loop3A_88, %parallel_loop3A_91, %parallel_loop3A_82 : vector<16xi1>, vector<16xf32>
        %parallel_loop3A_93 = arith.constant 1 : i32
        %parallel_loop3A_94 = arith.index_cast %parallel_loop3A_93 : i32 to index
        %parallel_loop3A_95 = arith.index_cast %parallel_loop3A_76 : i32 to index
        %parallel_loop3A_96 = tpu.vector_load %arg8[%parallel_loop3A_94, %parallel_loop3A_95] {strides = array<i32>} : memref<8x4096xf32, #tpu.memory_space<vmem>>, vector<1x16xf32>,
        %parallel_loop3A_97 = vector.shape_cast %parallel_loop3A_96 : vector<1x16xf32> to vector<16xf32>
        %parallel_loop3A_98 = arith.cmpf olt, %parallel_loop3A_97, %parallel_loop3A_80 : vector<16xf32>
        %parallel_loop3A_99 = arith.constant 1.000000e+00 : f32
        %parallel_loop3A_100 = vector.broadcast %parallel_loop3A_99 : f32 to vector<16xf32>
        %parallel_loop3A_101 = arith.addf %parallel_loop3A_92, %parallel_loop3A_100 : vector<16xf32>
        %parallel_loop3A_102 = arith.select %parallel_loop3A_98, %parallel_loop3A_101, %parallel_loop3A_92 : vector<16xi1>, vector<16xf32>
        %parallel_loop3A_103 = arith.constant 2 : i32
        %parallel_loop3A_104 = arith.index_cast %parallel_loop3A_103 : i32 to index
        %parallel_loop3A_105 = arith.index_cast %parallel_loop3A_76 : i32 to index
        %parallel_loop3A_106 = tpu.vector_load %arg8[%parallel_loop3A_104, %parallel_loop3A_105] {strides = array<i32>} : memref<8x4096xf32, #tpu.memory_space<vmem>>, vector<1x16xf32>,
        %parallel_loop3A_107 = vector.shape_cast %parallel_loop3A_106 : vector<1x16xf32> to vector<16xf32>
        %parallel_loop3A_108 = arith.cmpf olt, %parallel_loop3A_107, %parallel_loop3A_80 : vector<16xf32>
        %parallel_loop3A_109 = arith.constant 1.000000e+00 : f32
        %parallel_loop3A_110 = vector.broadcast %parallel_loop3A_109 : f32 to vector<16xf32>
        %parallel_loop3A_111 = arith.addf %parallel_loop3A_102, %parallel_loop3A_110 : vector<16xf32>
        %parallel_loop3A_112 = arith.select %parallel_loop3A_108, %parallel_loop3A_111, %parallel_loop3A_102 : vector<16xi1>, vector<16xf32>
        %parallel_loop3A_113 = arith.constant 3 : i32
        %parallel_loop3A_114 = arith.index_cast %parallel_loop3A_113 : i32 to index
        %parallel_loop3A_115 = arith.index_cast %parallel_loop3A_76 : i32 to index
        %parallel_loop3A_116 = tpu.vector_load %arg8[%parallel_loop3A_114, %parallel_loop3A_115] {strides = array<i32>} : memref<8x4096xf32, #tpu.memory_space<vmem>>, vector<1x16xf32>,
        %parallel_loop3A_117 = vector.shape_cast %parallel_loop3A_116 : vector<1x16xf32> to vector<16xf32>
        %parallel_loop3A_118 = arith.cmpf olt, %parallel_loop3A_117, %parallel_loop3A_80 : vector<16xf32>
        %parallel_loop3A_119 = arith.constant 1.000000e+00 : f32
        %parallel_loop3A_120 = vector.broadcast %parallel_loop3A_119 : f32 to vector<16xf32>
        %parallel_loop3A_121 = arith.addf %parallel_loop3A_112, %parallel_loop3A_120 : vector<16xf32>
        %parallel_loop3A_122 = arith.select %parallel_loop3A_118, %parallel_loop3A_121, %parallel_loop3A_112 : vector<16xi1>, vector<16xf32>
        %parallel_loop3A_123 = arith.constant 0.000000e+00 : f32
        %parallel_loop3A_124 = vector.broadcast %parallel_loop3A_123 : f32 to vector<16xf32>
        %parallel_loop3A_125 = arith.constant 4 : i32
        %parallel_loop3A_126 = arith.index_cast %parallel_loop3A_125 : i32 to index
        %parallel_loop3A_127 = arith.index_cast %parallel_loop3A_76 : i32 to index
        %parallel_loop3A_128 = tpu.vector_load %arg8[%parallel_loop3A_126, %parallel_loop3A_127] {strides = array<i32>} : memref<8x4096xf32, #tpu.memory_space<vmem>>, vector<1x16xf32>,
        %parallel_loop3A_129 = vector.shape_cast %parallel_loop3A_128 : vector<1x16xf32> to vector<16xf32>
        %parallel_loop3A_130 = arith.cmpf olt, %parallel_loop3A_129, %parallel_loop3A_80 : vector<16xf32>
        %parallel_loop3A_131 = arith.constant 1.000000e+00 : f32
        %parallel_loop3A_132 = vector.broadcast %parallel_loop3A_131 : f32 to vector<16xf32>
        %parallel_loop3A_133 = arith.addf %parallel_loop3A_124, %parallel_loop3A_132 : vector<16xf32>
        %parallel_loop3A_134 = arith.select %parallel_loop3A_130, %parallel_loop3A_133, %parallel_loop3A_124 : vector<16xi1>, vector<16xf32>
        %parallel_loop3A_135 = arith.constant 5 : i32
        %parallel_loop3A_136 = arith.index_cast %parallel_loop3A_135 : i32 to index
        %parallel_loop3A_137 = arith.index_cast %parallel_loop3A_76 : i32 to index
        %parallel_loop3A_138 = tpu.vector_load %arg8[%parallel_loop3A_136, %parallel_loop3A_137] {strides = array<i32>} : memref<8x4096xf32, #tpu.memory_space<vmem>>, vector<1x16xf32>,
        %parallel_loop3A_139 = vector.shape_cast %parallel_loop3A_138 : vector<1x16xf32> to vector<16xf32>
        %parallel_loop3A_140 = arith.cmpf olt, %parallel_loop3A_139, %parallel_loop3A_80 : vector<16xf32>
        %parallel_loop3A_141 = arith.constant 1.000000e+00 : f32
        %parallel_loop3A_142 = vector.broadcast %parallel_loop3A_141 : f32 to vector<16xf32>
        %parallel_loop3A_143 = arith.addf %parallel_loop3A_134, %parallel_loop3A_142 : vector<16xf32>
        %parallel_loop3A_144 = arith.select %parallel_loop3A_140, %parallel_loop3A_143, %parallel_loop3A_134 : vector<16xi1>, vector<16xf32>
        %parallel_loop3A_145 = arith.constant 6 : i32
        %parallel_loop3A_146 = arith.index_cast %parallel_loop3A_145 : i32 to index
        %parallel_loop3A_147 = arith.index_cast %parallel_loop3A_76 : i32 to index
        %parallel_loop3A_148 = tpu.vector_load %arg8[%parallel_loop3A_146, %parallel_loop3A_147] {strides = array<i32>} : memref<8x4096xf32, #tpu.memory_space<vmem>>, vector<1x16xf32>,
        %parallel_loop3A_149 = vector.shape_cast %parallel_loop3A_148 : vector<1x16xf32> to vector<16xf32>
        %parallel_loop3A_150 = arith.cmpf olt, %parallel_loop3A_149, %parallel_loop3A_80 : vector<16xf32>
        %parallel_loop3A_151 = arith.constant 1.000000e+00 : f32
        %parallel_loop3A_152 = vector.broadcast %parallel_loop3A_151 : f32 to vector<16xf32>
        %parallel_loop3A_153 = arith.addf %parallel_loop3A_144, %parallel_loop3A_152 : vector<16xf32>
        %parallel_loop3A_154 = arith.select %parallel_loop3A_150, %parallel_loop3A_153, %parallel_loop3A_144 : vector<16xi1>, vector<16xf32>
        %parallel_loop3A_155 = arith.constant 7 : i32
        %parallel_loop3A_156 = arith.index_cast %parallel_loop3A_155 : i32 to index
        %parallel_loop3A_157 = arith.index_cast %parallel_loop3A_76 : i32 to index
        %parallel_loop3A_158 = tpu.vector_load %arg8[%parallel_loop3A_156, %parallel_loop3A_157] {strides = array<i32>} : memref<8x4096xf32, #tpu.memory_space<vmem>>, vector<1x16xf32>,
        %parallel_loop3A_159 = vector.shape_cast %parallel_loop3A_158 : vector<1x16xf32> to vector<16xf32>
        %parallel_loop3A_160 = arith.cmpf olt, %parallel_loop3A_159, %parallel_loop3A_80 : vector<16xf32>
        %parallel_loop3A_161 = arith.constant 1.000000e+00 : f32
        %parallel_loop3A_162 = vector.broadcast %parallel_loop3A_161 : f32 to vector<16xf32>
        %parallel_loop3A_163 = arith.addf %parallel_loop3A_154, %parallel_loop3A_162 : vector<16xf32>
        %parallel_loop3A_164 = arith.select %parallel_loop3A_160, %parallel_loop3A_163, %parallel_loop3A_154 : vector<16xi1>, vector<16xf32>
        %parallel_loop3A_165 = arith.addf %parallel_loop3A_122, %parallel_loop3A_164 : vector<16xf32>
        %parallel_loop3A_166 = arith.constant 9.99999993E-9 : f32
        %parallel_loop3A_167 = arith.constant 1.000000e+00 : f32
        %parallel_loop3A_168 = vector.broadcast %parallel_loop3A_166 : f32 to vector<16xf32>
        %parallel_loop3A_169 = arith.maximumf %parallel_loop3A_168, %parallel_loop3A_80 : vector<16xf32>
        %parallel_loop3A_170 = vector.broadcast %parallel_loop3A_167 : f32 to vector<16xf32>
        %parallel_loop3A_171 = arith.minimumf %parallel_loop3A_170, %parallel_loop3A_169 : vector<16xf32>
        %parallel_loop3A_172 = arith.constant 1.000000e+00 : f32
        %parallel_loop3A_173 = vector.broadcast %parallel_loop3A_172 : f32 to vector<16xf32>
        %parallel_loop3A_174 = arith.subf %parallel_loop3A_173, %parallel_loop3A_171 : vector<16xf32>
        %parallel_loop3A_175 = arith.divf %parallel_loop3A_171, %parallel_loop3A_174 : vector<16xf32>
        %parallel_loop3A_176 = tpu.bitcast %parallel_loop3A_175 : vector<16xf32> -> vector<16xi32>
        %parallel_loop3A_177 = arith.constant 23 : i32
        %parallel_loop3A_178 = vector.broadcast %parallel_loop3A_177 : i32 to vector<16xi32>
        %parallel_loop3A_179 = arith.shrsi %parallel_loop3A_176, %parallel_loop3A_178 : vector<16xi32>
        %parallel_loop3A_180 = arith.constant 127 : i32
        %parallel_loop3A_181 = vector.broadcast %parallel_loop3A_180 : i32 to vector<16xi32>
        %parallel_loop3A_182 = arith.subi %parallel_loop3A_179, %parallel_loop3A_181 : vector<16xi32>
        %parallel_loop3A_183 = arith.sitofp %parallel_loop3A_182 : vector<16xi32> to vector<16xf32>
        %parallel_loop3A_184 = arith.constant 8388607 : i32
        %parallel_loop3A_185 = vector.broadcast %parallel_loop3A_184 : i32 to vector<16xi32>
        %parallel_loop3A_186 = arith.andi %parallel_loop3A_176, %parallel_loop3A_185 : vector<16xi32>
        %parallel_loop3A_187 = arith.constant 1065353216 : i32
        %parallel_loop3A_188 = vector.broadcast %parallel_loop3A_187 : i32 to vector<16xi32>
        %parallel_loop3A_189 = arith.ori %parallel_loop3A_186, %parallel_loop3A_188 : vector<16xi32>
        %parallel_loop3A_190 = tpu.bitcast %parallel_loop3A_189 : vector<16xi32> -> vector<16xf32>
        %parallel_loop3A_191 = arith.constant 1.41421354 : f32
        %parallel_loop3A_192 = vector.broadcast %parallel_loop3A_191 : f32 to vector<16xf32>
        %parallel_loop3A_193 = arith.cmpf ogt, %parallel_loop3A_190, %parallel_loop3A_192 : vector<16xf32>
        %parallel_loop3A_194 = arith.constant 5.000000e-01 : f32
        %parallel_loop3A_195 = vector.broadcast %parallel_loop3A_194 : f32 to vector<16xf32>
        %parallel_loop3A_196 = arith.mulf %parallel_loop3A_190, %parallel_loop3A_195 : vector<16xf32>
        %parallel_loop3A_197 = arith.select %parallel_loop3A_193, %parallel_loop3A_196, %parallel_loop3A_190 : vector<16xi1>, vector<16xf32>
        %parallel_loop3A_198 = arith.constant 1.000000e+00 : f32
        %parallel_loop3A_199 = vector.broadcast %parallel_loop3A_198 : f32 to vector<16xf32>
        %parallel_loop3A_200 = arith.addf %parallel_loop3A_183, %parallel_loop3A_199 : vector<16xf32>
        %parallel_loop3A_201 = arith.select %parallel_loop3A_193, %parallel_loop3A_200, %parallel_loop3A_183 : vector<16xi1>, vector<16xf32>
        %parallel_loop3A_202 = arith.constant 1.000000e+00 : f32
        %parallel_loop3A_203 = vector.broadcast %parallel_loop3A_202 : f32 to vector<16xf32>
        %parallel_loop3A_204 = arith.subf %parallel_loop3A_197, %parallel_loop3A_203 : vector<16xf32>
        %parallel_loop3A_205 = arith.constant 1.000000e+00 : f32
        %parallel_loop3A_206 = vector.broadcast %parallel_loop3A_205 : f32 to vector<16xf32>
        %parallel_loop3A_207 = arith.addf %parallel_loop3A_197, %parallel_loop3A_206 : vector<16xf32>
        %parallel_loop3A_208 = arith.divf %parallel_loop3A_204, %parallel_loop3A_207 : vector<16xf32>
        %parallel_loop3A_209 = arith.mulf %parallel_loop3A_208, %parallel_loop3A_208 : vector<16xf32>
        %parallel_loop3A_210 = arith.constant 2.000000e+00 : f32
        %parallel_loop3A_211 = vector.broadcast %parallel_loop3A_210 : f32 to vector<16xf32>
        %parallel_loop3A_212 = arith.mulf %parallel_loop3A_211, %parallel_loop3A_208 : vector<16xf32>
        %parallel_loop3A_213 = arith.constant 0.142857149 : f32
        %parallel_loop3A_214 = vector.broadcast %parallel_loop3A_213 : f32 to vector<16xf32>
        %parallel_loop3A_215 = arith.mulf %parallel_loop3A_209, %parallel_loop3A_214 : vector<16xf32>
        %parallel_loop3A_216 = arith.constant 2.000000e-01 : f32
        %parallel_loop3A_217 = vector.broadcast %parallel_loop3A_216 : f32 to vector<16xf32>
        %parallel_loop3A_218 = arith.addf %parallel_loop3A_217, %parallel_loop3A_215 : vector<16xf32>
        %parallel_loop3A_219 = arith.mulf %parallel_loop3A_209, %parallel_loop3A_218 : vector<16xf32>
        %parallel_loop3A_220 = arith.constant 0.333333343 : f32
        %parallel_loop3A_221 = vector.broadcast %parallel_loop3A_220 : f32 to vector<16xf32>
        %parallel_loop3A_222 = arith.addf %parallel_loop3A_221, %parallel_loop3A_219 : vector<16xf32>
        %parallel_loop3A_223 = arith.mulf %parallel_loop3A_209, %parallel_loop3A_222 : vector<16xf32>
        %parallel_loop3A_224 = arith.constant 1.000000e+00 : f32
        %parallel_loop3A_225 = vector.broadcast %parallel_loop3A_224 : f32 to vector<16xf32>
        %parallel_loop3A_226 = arith.addf %parallel_loop3A_225, %parallel_loop3A_223 : vector<16xf32>
        %parallel_loop3A_227 = arith.mulf %parallel_loop3A_212, %parallel_loop3A_226 : vector<16xf32>
        %parallel_loop3A_228 = arith.constant 0.693147182 : f32
        %parallel_loop3A_229 = vector.broadcast %parallel_loop3A_228 : f32 to vector<16xf32>
        %parallel_loop3A_230 = arith.mulf %parallel_loop3A_201, %parallel_loop3A_229 : vector<16xf32>
        %parallel_loop3A_231 = arith.addf %parallel_loop3A_230, %parallel_loop3A_227 : vector<16xf32>
        %parallel_loop3A_232 = arith.constant 6.250000e-02 : f32
        %parallel_loop3A_233 = vector.broadcast %parallel_loop3A_232 : f32 to vector<16xf32>
        %parallel_loop3A_234 = arith.mulf %parallel_loop3A_165, %parallel_loop3A_233 : vector<16xf32>
        %parallel_loop3A_235 = arith.mulf %parallel_loop3A_234, %parallel_loop3A_231 : vector<16xf32>
        %parallel_loop3A_236 = arith.addf %parallel_loop3A_77, %parallel_loop3A_235 : vector<16xf32>
        scf.yield %parallel_loop3A_236 : vector<16xf32>
      } {sc.loop_unroll_factor = 2 : i64, sc.parallel_access}
      scf.yield %parallel_loop3A_75 : vector<16xf32>
    }
    %scan3A_13 = arith.constant 4 : i32
    %swap3A = arith.constant 0 : index
    %swap3A_14 = tpu.vector_load %arg9[%swap3A] {strides = array<i32>} : memref<16xf32, #tpu.memory_space<vmem>>, vector<16xf32>,
    %swap3A_15 = vector.shape_cast %swap3A_14 : vector<16xf32> to vector<16xf32>
    %swap3A_16 = vector.shape_cast %scan3A_12 : vector<16xf32> to vector<16xf32>
    tpu.vector_store %arg9[%swap3A], %swap3A_16 {strides = array<i32>} : memref<16xf32, #tpu.memory_space<vmem>>, vector<16xf32>,
    %dma_start3A_17 = arith.constant 0 : i32
    %dma_start3A_18 = tpu.memref_slice %arg4[%add3A, %dma_start3A_17] : memref<32x16xf32, #tpu.memory_space<hbm>> -> memref<1x16xf32, #tpu.memory_space<hbm>>
    %dma_start3A_19 = tpu.memref_squeeze %dma_start3A_18 : memref<1x16xf32, #tpu.memory_space<hbm>> -> memref<16xf32, #tpu.memory_space<hbm>>
    %dma_start3A_20 = arith.constant 0 : i32
    %dma_start3A_21 = tpu.memref_slice %arg4[%add3A, %dma_start3A_20] : memref<32x16xf32, #tpu.memory_space<hbm>> -> memref<1x16xf32, #tpu.memory_space<hbm>>
    %dma_start3A_22 = tpu.memref_squeeze %dma_start3A_21 : memref<1x16xf32, #tpu.memory_space<hbm>> -> memref<16xf32, #tpu.memory_space<hbm>>
    tpu.enqueue_dma source(%arg9 : memref<16xf32, #tpu.memory_space<vmem>>) target(%dma_start3A_22 : memref<16xf32, #tpu.memory_space<hbm>>) target_semaphore(%arg14 : memref<!tpu.dma_semaphore, #tpu.memory_space<semaphore_mem>>)
    %dma_wait3A = arith.constant 0 : i32
    %dma_wait3A_23 = tpu.memref_slice %arg4[%add3A, %dma_wait3A] : memref<32x16xf32, #tpu.memory_space<hbm>> -> memref<1x16xf32, #tpu.memory_space<hbm>>
    %dma_wait3A_24 = tpu.memref_squeeze %dma_wait3A_23 : memref<1x16xf32, #tpu.memory_space<hbm>> -> memref<16xf32, #tpu.memory_space<hbm>>
    %dma_wait3A_25 = arith.constant 0 : i32
    %dma_wait3A_26 = tpu.memref_slice %arg4[%add3A, %dma_wait3A_25] : memref<32x16xf32, #tpu.memory_space<hbm>> -> memref<1x16xf32, #tpu.memory_space<hbm>>
    %dma_wait3A_27 = tpu.memref_squeeze %dma_wait3A_26 : memref<1x16xf32, #tpu.memory_space<hbm>> -> memref<16xf32, #tpu.memory_space<hbm>>
    tpu.wait_dma2 semaphore(%arg14 : memref<!tpu.dma_semaphore, #tpu.memory_space<semaphore_mem>>) src(%arg9 : memref<16xf32, #tpu.memory_space<vmem>>) dst(%dma_wait3A_27 : memref<16xf32, #tpu.memory_space<hbm>>)
    return
  }
}

module attributes {stable_mosaic.version = 14 : i64} {
  func.func @_tc_block(%arg0: i32, %arg1: memref<1x1x65536xf32, #tpu.memory_space<vmem>>, %arg2: memref<8x65536xf32, #tpu.memory_space<vmem>>, %arg3: memref<1x1xf32, #tpu.memory_space<vmem>>) attributes {dimension_semantics = [#tpu.dimension_semantics<arbitrary>], iteration_bounds = array<i64: 16>, scalar_prefetch = 0 : i64, scratch_operands = 0 : i64, tpu.core_type = #tpu.core_type<tc>, window_params = [{transform_indices = @transform_0, window_bounds = array<i64: 1, 1, 65536>}, {transform_indices = @transform_1, window_bounds = array<i64: 8, 65536>}, {pipeline_mode = #tpu.pipeline_mode<synchronous>, transform_indices = @transform_2, window_bounds = array<i64: 1, 1>}]} {
    %get3A = arith.constant 0 : index
    %get3A_0 = arith.constant 0 : index
    %get3A_1 = arith.constant 0 : index
    %get3A_2 = vector.load %arg1[%get3A, %get3A_0, %get3A_1] : memref<1x1x65536xf32, #tpu.memory_space<vmem>>, vector<1x1x65536xf32>
    %get3A_3 = vector.shape_cast %get3A_2 : vector<1x1x65536xf32> to vector<1x65536xf32>
    %jit3A = arith.constant 9.99999993E-9 : f32
    %jit3A_4 = arith.constant 1.000000e+00 : f32
    %max3A = vector.broadcast %jit3A : f32 to vector<1x65536xf32>
    %max3A_5 = arith.maximumf %max3A, %get3A_3 : vector<1x65536xf32>
    %min3A = vector.broadcast %jit3A_4 : f32 to vector<1x65536xf32>
    %min3A_6 = arith.minimumf %min3A, %max3A_5 : vector<1x65536xf32>
    %log3A = math.log %min3A_6 : vector<1x65536xf32>
    %sub3A = arith.constant 1.000000e+00 : f32
    %sub3A_7 = vector.broadcast %sub3A : f32 to vector<1x65536xf32>
    %sub3A_8 = arith.subf %sub3A_7, %min3A_6 : vector<1x65536xf32>
    %log3A_9 = math.log %sub3A_8 : vector<1x65536xf32>
    %sub3A_10 = arith.subf %log3A, %log3A_9 : vector<1x65536xf32>
    %get3A_11 = arith.constant 0 : index
    %get3A_12 = arith.constant 0 : index
    %get3A_13 = vector.load %arg2[%get3A_11, %get3A_12] : memref<8x65536xf32, #tpu.memory_space<vmem>>, vector<8x65536xf32>
    %lt3A = vector.broadcast %get3A_3 : vector<1x65536xf32> to vector<8x65536xf32>
    %lt3A_14 = arith.cmpf olt, %get3A_13, %lt3A : vector<8x65536xf32>
    %jit3A_15 = arith.constant 0.000000e+00 : f32
    %broadcast_in_dim3A = vector.shape_cast %sub3A_10 : vector<1x65536xf32> to vector<1x65536xf32>
    %broadcast_in_dim3A_16 = vector.broadcast %broadcast_in_dim3A : vector<1x65536xf32> to vector<8x65536xf32>
    %broadcast_in_dim3A_17 = vector.broadcast %jit3A_15 : f32 to vector<8x65536xf32>
    %select_n3A = arith.select %lt3A_14, %broadcast_in_dim3A_16, %broadcast_in_dim3A_17 : vector<8x65536xi1>, vector<8x65536xf32>
    %reduce_sum3A = vector.shape_cast %select_n3A : vector<8x65536xf32> to vector<1x8x65536xf32>
    %reduce_sum3A_18 = arith.constant dense<0.000000e+00> : vector<1xf32>
    %reduce_sum3A_19 = vector.multi_reduction <add>, %reduce_sum3A, %reduce_sum3A_18 [1, 2] : vector<1x8x65536xf32> to vector<1xf32>
    %reduce_sum3A_20 = vector.shape_cast %reduce_sum3A_19 : vector<1xf32> to vector<1x1x1xf32>
    %reduce_sum3A_21 = vector.extract %reduce_sum3A_20[0, 0, 0] : f32 from vector<1x1x1xf32>
    %mul3A = arith.constant 6.250000e-02 : f32
    %mul3A_22 = arith.mulf %reduce_sum3A_21, %mul3A : f32
    %mul3A_23 = arith.mulf %min3A_6, %sub3A_10 : vector<1x65536xf32>
    %reduce_sum3A_24 = vector.shape_cast %mul3A_23 : vector<1x65536xf32> to vector<1x1x65536xf32>
    %reduce_sum3A_25 = arith.constant dense<0.000000e+00> : vector<1xf32>
    %reduce_sum3A_26 = vector.multi_reduction <add>, %reduce_sum3A_24, %reduce_sum3A_25 [1, 2] : vector<1x1x65536xf32> to vector<1xf32>
    %reduce_sum3A_27 = vector.shape_cast %reduce_sum3A_26 : vector<1xf32> to vector<1x1x1xf32>
    %reduce_sum3A_28 = vector.extract %reduce_sum3A_27[0, 0, 0] : f32 from vector<1x1x1xf32>
    %sub3A_29 = arith.subf %mul3A_22, %reduce_sum3A_28 : f32
    %eq3A = arith.constant 0 : i32
    %eq3A_30 = arith.cmpi eq, %arg0, %eq3A : i32
    %convert_element_type3A = arith.extui %eq3A_30 : i1 to i32
    %cond3A = arith.constant 0 : i32
    %cond3A_31 = arith.cmpi ne, %convert_element_type3A, %cond3A : i32
    scf.if %cond3A_31 {
      %broadcast_in_dim3A_38 = arith.constant 0.000000e+00 : f32
      %broadcast_in_dim3A_39 = vector.broadcast %broadcast_in_dim3A_38 : f32 to vector<1x1xf32>
      %swap3A_40 = arith.constant 0 : index
      %swap3A_41 = arith.constant 0 : index
      %swap3A_42 = vector.load %arg3[%swap3A_40, %swap3A_41] : memref<1x1xf32, #tpu.memory_space<vmem>>, vector<1x1xf32>
      tpu.vector_store %arg3[%swap3A_40, %swap3A_41], %broadcast_in_dim3A_39 {strides = array<i32>} : memref<1x1xf32, #tpu.memory_space<vmem>>, vector<1x1xf32>,
    } else {
    }
    %get3A_32 = arith.constant 0 : index
    %get3A_33 = arith.constant 0 : index
    %get3A_34 = vector.load %arg3[%get3A_32, %get3A_33] : memref<1x1xf32, #tpu.memory_space<vmem>>, vector<1x1xf32>
    %add3A = vector.broadcast %sub3A_29 : f32 to vector<1x1xf32>
    %add3A_35 = arith.addf %get3A_34, %add3A : vector<1x1xf32>
    %swap3A = arith.constant 0 : index
    %swap3A_36 = arith.constant 0 : index
    %swap3A_37 = vector.load %arg3[%swap3A, %swap3A_36] : memref<1x1xf32, #tpu.memory_space<vmem>>, vector<1x1xf32>
    tpu.vector_store %arg3[%swap3A, %swap3A_36], %add3A_35 {strides = array<i32>} : memref<1x1xf32, #tpu.memory_space<vmem>>, vector<1x1xf32>,
    return
  }
  func.func @transform_0(%arg0: i32) -> (i32, i32, i32) {
    %c0_i32 = arith.constant 0 : i32
    %c0_i32_0 = arith.constant 0 : i32
    %c0_i32_1 = arith.constant 0 : i32
    return %arg0, %c0_i32, %c0_i32_0 : i32, i32, i32
  }
  func.func @transform_1(%arg0: i32) -> (i32, i32) {
    %c0_i32 = arith.constant 0 : i32
    %c0_i32_0 = arith.constant 0 : i32
    return %c0_i32, %arg0 : i32, i32
  }
  func.func @transform_2(%arg0: i32) -> (i32, i32) {
    %c0_i32 = arith.constant 0 : i32
    %c0_i32_0 = arith.constant 0 : i32
    %c0_i32_1 = arith.constant 0 : i32
    return %c0_i32, %c0_i32_0 : i32, i32
  }
}

</mosaic_0001>

<sc_bundles>
// kernel: _elbo.4.cloned.1.call-start
scs
__scs_entry_jumppad:
0x0: {  	(pc) =	sbr.rel $0x88, $3  }
0x1: {  	(tag) =	ssettag $0x0;
	lr =	simm.s32 $0x1  }
0x2: {  	[smem:$0x3F9F] =	sst lr;
	_ =	strace $0xD0000000  }
0x3: {  	_ = 	snop  }
0x4: {  	_ = 	snop  }
0x5: {  	_ = 	snop  }
0x6: {  	_ = 	snop  }
0x7: {  	_ = 	snop  }
__scs_overlays_trampoline_lowered:
0x8: {  	[smem:$0x3FAE] =	sst s0  }
0x9: {  	[smem:$0x3FAF] =	sst s1  }
0xa: {  	[smem:$0x3FB0] =	sst s2  }
0xb: {  	[smem:$0x3FB1] =	sst s3  }
0xc: {  	[smem:$0x3FB2] =	sst s4  }
0xd: {  	[smem:$0x3FB3] =	sst s5  }
0xe: {  	[smem:$0x3FB4] =	sst s6  }
0xf: {  	[smem:$0x3FB5] =	sst s7  }
0x10: {  	[smem:$0x3FB6] =	sst s8  }
0x11: {  	[smem:$0x3FB7] =	sst s9;
	s0 =	simm.s32 @!p0 $0x0  }
0x12: {  	s1 =	sld [smem:$0x3F9D];
	s0 =	simm.s32 @p0 $0x1  }
0x13: {  	[smem:$0x3FB8] =	sst s0;
	s0 =	simm.s32 @!p1 $0x0  }
0x14: {  	s2 =	sld [smem:$0x3F9C];
	s0 =	simm.s32 @p1 $0x1  }
0x15: {  	[smem:$0x3FB9] =	sst s0;
	s0 =	simm.s32 @!p2 $0x0  }
0x16: {  	s3 =	sld [smem:$0x3FDB];
	s0 =	simm.s32 @p2 $0x1  }
0x17: {  	s4 =	simm.s32 $0x1BF5;
	[smem:$0x3FBB] =	sst s0  }
0x18: {  	s0 =	sld [smem:$0x3F9E];
	_ =	swait.ge [sflag:s4], $0x0  }
0x19: {  	s7 =	sld [smem:$0x3F9F]  }
0x1a: {  	s8 =	sadd.s32 $0xFFFFE003, lr  }
0x1b: {  	s9 =	sadd.s32 $0xFFFFFEF7, lr;
	s5 =	simm.s32 $0xFFFFFFFF;
	p2 =	slt.u32 s8, $0xFFFFF086  }
0x1c: {  	p1 =	slt.u32 s9, $0xF7A;
	s5 =	simm.s32 @!p2 $0x0  }
0x1d: {  	s5 =	simm.s32 @p1 $0x1;
	p0 =	seq.s32 s7, s2  }
0x1e: {  	s7 =	smul.u32 @!p0 $0xF7A, s2;
	p2 =	seq.s32 @!p0 s5, $0x0  }
0x1f: {  	s9 =	smul.u32 $0xF7A, s1;
	s8 =	simm.s32 @!p0 $0x1BF5;
	p2 =	por !p2, p0  }
0x20: {  	[sflag:s8] =	ssyncset.s32 @!p0 $0xFFFFF086;
	s6 =	sadd.s32 @!p0 s3, s7;
	s7 =	simm.s32 @!p0 $0x108  }
0x21: {  	s3 =	sadd.s32 s3, s9;
	s6 =	sadd.s32 @!p0 $0x88, s6;
	s7 =	simm.s32 @p2 $0x1082  }
0x22: {  	[simem:s7], [sflag:s8] =	dma.local @!p0 [hbm:s6], $0xF7A  }
0x23: {  	s9 =	sor.u32 $0xD0000000, s2;
	s6 =	simm.s32 $0x108;
	_ =	swait.ge @!p0 [sflag:s8], $0x0  }
0x24: {  	s3 =	sadd.s32 $0x88, s3;
	s6 =	simm.s32 @!p1 $0x1082;
	[sflag:s4] =	ssyncset.s32 $0xFFFFF086  }
0x25: {  	[simem:s6], [sflag:s4] =	dma.local [hbm:s3], $0xF7A  }
0x26: {  	[smem:$0x3F9F] =	sst s1;
	(tag) =	ssettag s2;
	_ =	strace s9  }
0x27: {  	s1 =	sld [smem:$0x3FAF]  }
0x28: {  	s2 =	sld [smem:$0x3FB0]  }
0x29: {  	s4 =	sld [smem:$0x3FB2]  }
0x2a: {  	p0 =	seq.s32 s5, $0x0;
	s5 =	sld [smem:$0x3FB3]  }
0x2b: {  	s6 =	sld [smem:$0x3FB4]  }
0x2c: {  	s7 =	sld [smem:$0x3FB5]  }
0x2d: {  	s3 =	simm.s32 $0x108;
	s8 =	sld [smem:$0x3FB6]  }
0x2e: {  	s3 =	simm.s32 @!p0 $0x1082;
	s9 =	sld [smem:$0x3FB7]  }
0x2f: {  	lr =	sadd.s32 s0, s3;
	s0 =	sld [smem:$0x3FAE]  }
0x30: {  	s3 =	sld [smem:$0x3FB1]  }
0x31: {  	[smem:$0x3FBA] =	sst s10  }
0x32: {  	s10 =	sld [smem:$0x3FB8];
	_ =	sdelay $0x3  }
0x33: {  	p0 =	seq.s32 s10, $0x1;
	s10 =	sld [smem:$0x3FBA];
	_ =	sdelay $0x3  }
0x34: {  	[smem:$0x3FBA] =	sst s10  }
0x35: {  	s10 =	sld [smem:$0x3FB9];
	_ =	sdelay $0x3  }
0x36: {  	p1 =	seq.s32 s10, $0x1;
	s10 =	sld [smem:$0x3FBA];
	_ =	sdelay $0x3  }
0x37: {  	[smem:$0x3FBA] =	sst s10  }
0x38: {  	s10 =	sld [smem:$0x3FBB]  }
0x39: {  	_ = 	snop;
	(pc) =	sbr.ind lr, $3  }
0x3a: {  	_ = 	snop  }
0x3b: {  	_ = 	snop  }
0x3c: {  	p2 =	seq.s32 s10, $0x1;
	s10 =	sld [smem:$0x3FBA]  }
0x3d: {  	_ =	shalt  }
0x3e: {  	_ =	shalt  }
0x3f: {  	_ =	shalt  }
0x40: {  	_ =	shalt  }
0x41: {  	_ =	shalt  }
0x42: {  	_ =	shalt  }
0x43: {  	_ =	shalt  }
0x44: {  	_ =	shalt  }
0x45: {  	_ =	shalt  }
0x46: {  	_ =	shalt  }
0x47: {  	_ =	shalt  }
0x48: {  	_ =	shalt  }
0x49: {  	_ =	shalt  }
0x4a: {  	_ =	shalt  }
0x4b: {  	_ =	shalt  }
0x4c: {  	_ =	shalt  }
0x4d: {  	_ =	shalt  }
0x4e: {  	_ =	shalt  }
0x4f: {  	_ =	shalt  }
0x50: {  	_ =	shalt  }
0x51: {  	_ =	shalt  }
0x52: {  	_ =	shalt  }
0x53: {  	_ =	shalt  }
0x54: {  	_ =	shalt  }
0x55: {  	_ =	shalt  }
0x56: {  	_ =	shalt  }
0x57: {  	_ =	shalt  }
0x58: {  	_ =	shalt  }
0x59: {  	_ =	shalt  }
0x5a: {  	_ =	shalt  }
0x5b: {  	_ =	shalt  }
0x5c: {  	_ =	shalt  }
0x5d: {  	_ =	shalt  }
0x5e: {  	_ =	shalt  }
0x5f: {  	_ =	shalt  }
0x60: {  	_ =	shalt  }
0x61: {  	_ =	shalt  }
0x62: {  	_ =	shalt  }
0x63: {  	_ =	shalt  }
0x64: {  	_ =	shalt  }
0x65: {  	_ =	shalt  }
0x66: {  	_ =	shalt  }
0x67: {  	_ =	shalt  }
0x68: {  	_ =	shalt  }
0x69: {  	_ =	shalt  }
0x6a: {  	_ =	shalt  }
0x6b: {  	_ =	shalt  }
0x6c: {  	_ =	shalt  }
0x6d: {  	_ =	shalt  }
0x6e: {  	_ =	shalt  }
0x6f: {  	_ =	shalt  }
0x70: {  	_ =	shalt  }
0x71: {  	_ =	shalt  }
0x72: {  	_ =	shalt  }
0x73: {  	_ =	shalt  }
0x74: {  	_ =	shalt  }
0x75: {  	_ =	shalt  }
0x76: {  	_ =	shalt  }
0x77: {  	_ =	shalt  }
0x78: {  	_ =	shalt  }
0x79: {  	_ =	shalt  }
0x7a: {  	_ =	shalt  }
0x7b: {  	_ =	shalt  }
0x7c: {  	_ =	shalt  }
0x7d: {  	_ =	shalt  }
0x7e: {  	_ =	shalt  }
0x7f: {  	_ =	shalt  }
0x80: {  	_ =	shalt  }
0x81: {  	_ =	shalt  }
0x82: {  	_ =	shalt  }
0x83: {  	_ =	shalt  }
0x84: {  	_ =	shalt  }
0x85: {  	_ =	shalt  }
0x86: {  	_ =	shalt  }
0x87: {  	_ =	shalt  }
.Lfunc_end0:
.L_simem_size_0:
called_computation_lowered:
.L_overlay_start_0:
0x88: {  	s2 =	sld [smem:$0x3FD9]  }
0x89: {  	s3 =	sld [smem:$0x3FFE];
	_ =	sdelay $0x1  }
0x8a: {  	s1 =	srdreg.scid  }
0x8b: {  	s0 =	sand.u32 $0x1, s1  }
0x8c: {  	s17 =	sshll.u32 s0, $0xA;
	s2 =	sadd.s32 s3, s2  }
0x8d: {  	s2 =	sadd.s32 s2, s17  }
0x8e: {  	[smem:$0x3FC6] =	sst s2  }
0x8f: {  	_ = 	snop  }
0x90: {  	s2 =	sld [smem:$0x3FC9]  }
0x91: {  	s18 =	sld [smem:$0x3FC8];
	(tm) =	ssettm $0x1  }
0x92: {  	s4 =	sld [smem:$0x3FFB];
	_ =	sdelay $0x3  }
0x93: {  	_ =	strace s4  }
0x94: {  	s4 =	sld [smem:$0x3FFC];
	_ =	sdelay $0x3  }
0x95: {  	_ =	strace s4  }
0x96: {  	s4 =	sld [smem:$0x3FFD];
	_ =	sdelay $0x3  }
0x97: {  	_ =	strace s4  }
0x98: {  	_ =	strace $0x8FFFFFFF  }
0x99: {  	s19 =	sld [smem:$0x3FDB];
	_ =	sdelay $0x1  }
0x9a: {  	s5 =	simm.s32 $_scs_section_size  }
0x9b: {  	s6 =	simm.s32 $_size__tile_overlayer_lowered;
	s7 =	simm.s32 $_tile_overlayer_lowered  }
0x9c: {  	s22 =	simm.s32 $0x1BFF;
	s21 =	sshll.u32 s7, $0x1;
	s4 =	sadd.s32 s5, s19  }
0x9d: {  	s8 =	simm.s32 $0x0;
	s20 =	sshll.u32 s6, $0x1;
	s6 =	sadd.s32 s21, s4  }
0x9e: {  	[timem:s8], [sflag:s22] =	dma.local [hbm:s6], s20  }
0x9f: {  	_ =	swait.ge [sflag:s22], s20  }
0xa0: {  	s5 =	ssub.s32 $0x0, s20;
	[sflag:s22] =	ssyncset.done $0x0  }
0xa1: {  	[sflag:s22] =	ssyncadd.s32 s5;
	_ =	sdelay $0x1  }
0xa2: {  	s23 =	simm.s32 $0x1B8B  }
0xa3: {  	_ =	swait.ge [sflag:s23], $0x1  }
0xa4: {  	[sflag:s23] =	ssyncset.done $0x0  }
0xa5: {  	s25 =	simm.s32 $0x1B8E;
	s24 =	sld [smem:$0x3FFE];
	[sflag:s23] =	ssyncadd.s32 $0xFFFFFFFF  }
0xa6: {  	s26 =	simm.s32 $execute0_lowered;
	[smem:$0x3FD2] =	sst s25  }
0xa7: {  	s6 =	sshll.u32 s26, $0x1;
	_ =	strace $0x80000046;
	[dreg:$0x1] =	wrdreg $0xFFFFFFFF  }
0xa8: {  	s28 =	simm.s32 $_size_execute0_lowered;
	s4 =	sadd.s32 s4, s6;
	[dreg:$0x0] =	wrdreg $0x0  }
0xa9: {  	s6 =	sshll.u32 s28, $0x1;
	[dreg:$0x2] =	wrdreg s4  }
0xaa: {  	[dreg:$0x3] =	wrdreg s6  }
0xab: {  	[dreg:$0x4] =	wrdreg $0xC0  }
0xac: {  	_ =	task [dreg:s8], $0x5FFFF  }
0xad: {  	[dreg:$0x1] =	wrdreg $0xFFFFFFFF  }
0xae: {  	[dreg:$0x0] =	wrdreg $0x60  }
0xaf: {  	[dreg:$0x2] =	wrdreg s2  }
0xb0: {  	[dreg:$0x3] =	wrdreg s18  }
0xb1: {  	[dreg:$0x4] =	wrdreg s24  }
0xb2: {  	[dreg:$0x5] =	wrdreg $0x9  }
0xb3: {  	_ =	task.clear_ibuf [dreg:s8], $0x6FFFF;
	_ =	strace $0x90000046  }
0xb4: {  	s29 =	simm.s32 $0x9;
	_ =	strace $0x80000048  }
0xb5: {  	_ =	swait.ge [sflag:s29], $0x1  }
0xb6: {  	[sflag:s29] =	ssyncadd.s32 $0xFFFFFFFF  }
0xb7: {  	_ =	strace $0x90000048  }
0xb8: {  	_ =	sfence  }
0xb9: {  	s30 =	sld [smem:$0x0];
	_ =	sdelay $0x2  }
0xba: {  	s31 =	sshll.u32 s1, $0xD;
	s1 =	sshrl.u32 s1, $0x2  }
0xbb: {  	s3 =	sand.u32 $0x4000, s31;
	s1 =	sadd.s32 s1, s30  }
0xbc: {  	s0 =	sor.u32 s3, s0;
	s1 =	sshll.u32 s1, $0x11  }
0xbd: {  	s0 =	sor.u32 s1, s0  }
0xbe: {  	s0 =	sadd.s32 $0x8F2B, s0  }
0xbf: {  	[sflag:s0] =	ssyncadd.remote.s32 $0x1  }
0xc0: {  	_ =	sfence.sel $0xFFFF  }
0xc1: {  	[dreg:$0x0] =	wrdreg $0xFFFFFFFF;
	(pc) =	sbr.abs _section_cstart, $3  }
0xc2: {  	[dreg:$0x1] =	wrdreg $0xFFFFFFFF  }
0xc3: {  	_ =	task.clear_ibuf [dreg:s8], $0x2FFFF;
	_ =	strace $0x9FFFFFFF  }
0xc4: {  	(tm) =	ssettm $0x7FFFFFFF  }
0xc5: {  	_ =	shalt  }
tec
execute0_lowered:
.L_overlay_start_1:
0x0: {  	(tag) =	ssettag $0x1  }
0x1: {  	s1 =	rddreg [dreg:$0x0]  }
0x2: {  	s5 =	rddreg [dreg:$0x1]  }
0x3: {  	s4 =	rddreg [dreg:$0x2]  }
0x4: {  	s0 =	rddreg [dreg:$0x3]  }
0x5: {  	s3 =	simm.s32 $0x0;
	s6 =	srdreg.scid;
	s2 =	stileid.u32  }
0x6: {  	s11 =	simm.s32 $0x2000;
	s12 =	simm.s32 $0x1;
	s13 =	simm.s32 $0x3  }
0x7: {  	s14 =	simm.s32 $0x1000;
	s15 =	simm.s32 $0xA000;
	s16 =	simm.s32 $0x2  }
0x8: {  	s17 =	simm.s32 $0x4;
	s18 =	simm.s32 $0x12000;
	s19 =	simm.s32 $0x5  }
0x9: {  	s20 =	simm.s32 $0x0;
	[smem:$0x7FF] =	sst s3;
	s6 =	sand.u32 $0x1, s6  }
0xa: {  	s7 =	sshll.u32 s2, $0x4;
	s5 =	sadd.s32 $0x100000, s5;
	_ =	strace $0x80000047  }
0xb: {  	s8 =	ssub.s32 $0x2, s6;
	s6 =	sshll.u32 s6, $0x4;
	s7 =	sand.u32 $0x70, s7  }
0xc: {  	s9 =	sshrl.u32 s8, $0x1;
	s6 =	sor.u32 s2, s6;
	s7 =	sadd.s32 s7, s4  }
0xd: {  	s30 =	sshll.u32 s6, $0x4;
	s10 =	sshll.u32 s6, $0xF;
	s6 =	sshll.u32 s6, $0xC  }
0xe: {  	s9 =	ssub.s32 s8, s9;
	s31 =	sand.u32 $0x180, s30;
	s4 =	sadd.s32 s1, s6  }
0xf: {  	s6 =	sadd.s32 s10, s5;
	s9 =	smax.u32 s9, $0x1;
	s8 =	sadd.s32 s31, s7  }
0x10: {  	v0 =	vimm.f32 $0.0e+00;
	s7 =	sor.u32 $0x2000, s10;
	s10 =	sor.u32 $0x1000, s10;
	s8 =	sadd.s32 $0x200, s8  }
.LBB2_1:
0x11: {  	[tilespmem:s3], [sflag:$0x1] =	stream.linear.gather [hbm4b:s4+s3], $0x1000, $0x38;
	[tilespmem:$0x12080] =	vst v63  }
0x12: {  	s21 =	simm.s32 $0x0  }
0x13: {  	v1 =	vimm.f32 $0.0e+00;
	[tilespmem:s11], [sflag:$0x3] =	stream.linear.gather [hbm4b:s6+s3], $0x8000, $0x38;
	[tilespmem:$0x12080] =	vst v63  }
.LBB2_2:
0x14: {  	_ =	swait.ge [sflag:s12], $0x1000  }
0x15: {  	[sflag:s12] =	ssyncset.done $0x0  }
0x16: {  	s22 =	sshll.u32 s21, $0xD;
	[sflag:s12] =	ssyncadd.s32 $0xFFFFF000  }
0x17: {  	s23 =	sor.u32 s10, s22;
	_ =	swait.ge [sflag:s13], $0x8000  }
0x18: {  	s24 =	sshrl.u32 s23, $0x3;
	[sflag:s13] =	ssyncset.done $0x0  }
0x19: {  	s25 =	simm.s32 $0x0;
	s24 =	sadd.s32 s1, s24;
	[sflag:s13] =	ssyncadd.s32 $0xFFFF8000  }
0x1a: {  	[tilespmem:s14], [sflag:$0x2] =	stream.linear.gather [hbm4b:s24+s25], $0x1000, $0x38;
	[tilespmem:$0x12080] =	vst v63  }
0x1b: {  	s30 =	simm.s32 $0x0;
	s23 =	sadd.s32 s23, s5  }
0x1c: {  	[tilespmem:s15], [sflag:$0x4] =	stream.linear.gather [hbm4b:s23+s25], $0x8000, $0x38;
	[tilespmem:$0x12080] =	vst v63  }
0x1d: {  	s31 =	sand.u32 $0x7C00, s25;
	s23 =	sand.u32 $0x70, s30;
	v2 =	vld [tilespmem:s25+$0x0]  }
0x1e: {  	s23 =	sor.u32 s23, s31  }
0x1f: {  	v3 =	vld [tilespmem:s23+$0x2000];
	_ =	sdelay $0x1  }
0x20: {  	v4 =	vld [tilespmem:s23+$0x2200]  }
0x21: {  	v6 =	vld [tilespmem:s23+$0x2080];
	v5 =	vmax.f32 v2, $9.999999930e-09  }
0x22: {  	v8 =	vld [tilespmem:s23+$0x2280];
	v5 =	vmin.f32 v5, $1.000000000e+00  }
0x23: {  	s26 =	sand.u32 $0x7, s25;
	vm0 =	vlt.f32 v3, v2;
	v7 =	vsub.f32 $1.000000000e+00, v5  }
0x24: {  	s24 =	sshll.u32 s26, $0x4;
	v10 =	vld [tilespmem:s23+$0x2300];
	v3 =	vsel vm0, $0x3F800000, v0  }
0x25: {  	s24 =	sadd.s32 $0x0, s24;
	vm0 =	vlt.f32 v4, v2;
	v4 =	vadd.f32 $1.000000000e+00, v3;
	(erf) = vrcp.f32 v7;
	v7 =	vld [tilespmem:s23+$0x2100]  }
0x26: {  	s29 =	simm.s32 $0x10;
	s24 =	sor.u32 $0x380, s24;
	s30 =	simm.s32 $0x80;
	v11 =	vld [tilespmem:s23+$0x2180];
	v9 =	vsel vm0, $0x3F800000, v0;
	vm0 =	vlt.f32 v6, v2  }
0x27: {  	s28 =	simm.s32 $0x10;
	s31 =	sand.u32 $0x70, s29;
	v6 =	vadd.f32 $1.000000000e+00, v9;
	s23 =	sand.u32 $0x7C00, s30;
	v3 =	vsel vm0, v4, v3;
	vm0 =	vlt.f32 v8, v2;
	v8 =	vld [tilespmem:s24+$0x2000]  }
0x28: {  	v4 =	vld [tilespmem:s28+$0x0];
	s23 =	sor.u32 s31, s23  }
0x29: {  	v12 =	vadd.f32 $1.000000000e+00, v3;
	v6 =	vsel vm0, v6, v9;
	v9 =	vld [tilespmem:s23+$0x2000]  }
0x2a: {  	vm0 =	vlt.f32 v7, v2;
	v7 =	vadd.f32 $1.000000000e+00, v6  }
0x2b: {  	v3 =	vsel vm0, v12, v3;
	vm0 =	vlt.f32 v10, v2  }
0x2c: {  	vm1 =	vlt.f32 v8, v2;
	v8 =	vld [tilespmem:s23+$0x2080];
	v10 =	vadd.f32 $1.000000000e+00, v3;
	v6 =	vsel vm0, v7, v6  }
0x2d: {  	v12 =	vmax.f32 v4, $9.999999930e-09;
	vm0 =	vlt.f32 v11, v2;
	v11 =	vld [tilespmem:s23+$0x2200];
	v7 =	vadd.f32 $1.000000000e+00, v6  }
0x2e: {  	v2 =	vpop (erf);
	v3 =	vsel vm0, v10, v3;
	v10 =	vmin.f32 v12, $1.000000000e+00;
	vm0 =	vlt.f32 v9, v4  }
0x2f: {  	s25 =	simm.s32 $0x1;
	v6 =	vsel vm1, v7, v6;
	v7 =	vsub.f32 $1.000000000e+00, v10;
	v2 =	vmul.f32 v2, v5  }
0x30: {  	s24 =	sand.u32 $0x7, s25;
	v5 =	vsel vm0, $0x3F800000, v0;
	v6 =	vadd.f32 v6, v3;
	v3 =	vld [tilespmem:s23+$0x2280]  }
0x31: {  	s24 =	sshll.u32 s24, $0x4;
	v12 =	vadd.f32 $1.000000000e+00, v5;
	(erf) = vrcp.f32 v7;
	v7 =	vld [tilespmem:s23+$0x2100];
	v9 =	vand.u32 $0x7FFFFF, v2  }
0x32: {  	s24 =	sadd.s32 $0x80, s24;
	vm1 =	vlt.f32 v8, v4;
	vm0 =	vlt.f32 v11, v4;
	v9 =	vor.u32 $0x3F800000, v9  }
0x33: {  	s26 =	simm.s32 $0x20;
	s28 =	simm.s32 $0x100;
	s24 =	sor.u32 $0x380, s24;
	v11 =	vld [tilespmem:s23+$0x2300];
	v2 =	vshra.s32 v2, $0x17;
	v8 =	vsel vm0, $0x3F800000, v0;
	v13 =	vmul.f32 $5.000000000e-01, v9  }
0x34: {  	s25 =	sand.u32 $0x7C00, s28;
	v14 =	vld [tilespmem:s24+$0x2000];
	s24 =	sand.u32 $0x70, s26;
	v5 =	vsel vm1, v12, v5;
	v12 =	vadd.f32 $1.000000000e+00, v8;
	vm0 =	vgt.f32 v9, $1.414213540e+00  }
0x35: {  	v15 =	vld [tilespmem:s23+$0x2180];
	s24 =	sor.u32 s24, s25;
	v16 =	vadd.f32 $1.000000000e+00, v5;
	vm1 =	vlt.f32 v3, v4;
	v3 =	vsel vm0, v13, v9  }
0x36: {  	s29 =	simm.s32 $0x20;
	s30 =	simm.s32 $0x2;
	v13 =	vld [tilespmem:s24+$0x2000];
	vm2 =	vlt.f32 v7, v4;
	v7 =	vsel vm1, v12, v8;
	v9 =	vadd.f32 $1.000000000e+00, v3  }
0x37: {  	s23 =	sand.u32 $0x7, s30;
	v2 =	vadd.s32 $0xFFFFFF81, v2;
	v8 =	vld [tilespmem:s29+$0x0];
	v12 =	vadd.f32 $1.000000000e+00, v7  }
0x38: {  	s23 =	sshll.u32 s23, $0x4;
	vm1 =	vlt.f32 v11, v4;
	v5 =	vsel vm2, v16, v5;
	(erf) = vrcp.f32 v9  }
0x39: {  	v2 =	vcvt.s32.f32 v2;
	s23 =	sadd.s32 $0x100, s23;
	v11 =	vld [tilespmem:s24+$0x2200];
	v9 =	vadd.f32 $1.000000000e+00, v5;
	v7 =	vsel vm1, v12, v7  }
0x3a: {  	s23 =	sor.u32 $0x380, s23;
	vm2 =	vlt.f32 v15, v4;
	vm1 =	vlt.f32 v14, v4;
	v12 =	vld [tilespmem:s24+$0x2080];
	v4 =	vadd.f32 $1.000000000e+00, v7  }
0x3b: {  	v14 =	vld [tilespmem:s23+$0x2000];
	v5 =	vsel vm2, v9, v5;
	v9 =	vadd.f32 $1.000000000e+00, v2  }
0x3c: {  	v15 =	vmax.f32 v8, $9.999999930e-09;
	v4 =	vsel vm1, v4, v7;
	vm1 =	vlt.f32 v13, v8;
	v13 =	vld [tilespmem:s24+$0x2280]  }
0x3d: {  	v7 =	vmin.f32 v15, $1.000000000e+00;
	v9 =	vsel vm0, v9, v2;
	v15 =	vld [tilespmem:s24+$0x2180]  }
0x3e: {  	vm0 =	vlt.f32 v11, v8;
	v17 =	vsel vm1, $0x3F800000, v0;
	v2 =	vadd.f32 v4, v5;
	v5 =	vld [tilespmem:s24+$0x2100]  }
0x3f: {  	v3 =	vadd.f32 $-1.000000000e+00, v3;
	v11 =	vsel vm0, $0x3F800000, v0;
	v4 =	vadd.f32 $1.000000000e+00, v17  }
0x40: {  	v52 =	vld [tilespmem:s24+$0x2300];
	v51 =	vsub.f32 $1.000000000e+00, v7;
	vm1 =	vlt.f32 v12, v8;
	v12 =	vpop (erf);
	v53 =	vadd.f32 $1.000000000e+00, v11  }
0x41: {  	vm0 =	vlt.f32 v14, v8;
	v4 =	vsel vm1, v4, v17;
	vm1 =	vlt.f32 v13, v8;
	v13 =	vpop (erf)  }
0x42: {  	v10 =	vmul.f32 v12, v10;
	v14 =	vadd.f32 $1.000000000e+00, v4;
	v12 =	vmul.f32 v13, v3  }
0x43: {  	v11 =	vsel vm1, v53, v11;
	vm1 =	vlt.f32 v15, v8;
	vm2 =	vlt.f32 v5, v8  }
0x44: {  	v5 =	vand.u32 $0x7FFFFF, v10;
	v3 =	vadd.f32 $1.000000000e+00, v11;
	v13 =	vmul.f32 v12, v12  }
0x45: {  	s31 =	simm.s32 $0x30;
	s25 =	simm.s32 $0x3;
	v4 =	vsel vm2, v14, v4;
	vm2 =	vlt.f32 v52, v8;
	v5 =	vor.u32 $0x3F800000, v5  }
0x46: {  	s26 =	sand.u32 $0x7, s25;
	s23 =	simm.s32 $0x30;
	s24 =	simm.s32 $0x180;
	v8 =	vshra.s32 v10, $0x17;
	v14 =	vld [tilespmem:s31+$0x0];
	v10 =	vmul.f32 $5.000000000e-01, v5;
	v15 =	vmul.f32 $1.428571490e-01, v13  }
0x47: {  	s26 =	sshll.u32 s26, $0x4;
	s28 =	sand.u32 $0x70, s23;
	s29 =	sand.u32 $0x7C00, s24;
	v8 =	vadd.s32 $0xFFFFFF81, v8;
	vm3 =	vgt.f32 v5, $1.414213540e+00;
	v54 =	vadd.f32 $1.000000000e+00, v4  }
0x48: {  	s26 =	sadd.s32 $0x180, s26;
	s28 =	sor.u32 s28, s29;
	v3 =	vsel vm2, v3, v11;
	v10 =	vsel vm3, v10, v5;
	v5 =	vadd.f32 $2.000000030e-01, v15  }
0x49: {  	s26 =	sor.u32 $0x380, s26;
	v8 =	vcvt.s32.f32 v8;
	v11 =	vld [tilespmem:s28+$0x2000];
	v16 =	vsel vm1, v54, v4;
	v4 =	vadd.f32 $1.000000000e+00, v10  }
0x4a: {  	v19 =	vld [tilespmem:s26+$0x2000];
	(erf) = vrcp.f32 v51;
	v15 =	vadd.f32 $1.000000000e+00, v3;
	v21 =	vmul.f32 v5, v13  }
0x4b: {  	v55 =	vld [tilespmem:s28+$0x2200];
	v18 =	vadd.f32 $1.000000000e+00, v8;
	v20 =	vmax.f32 v14, $9.999999930e-09;
	(erf) = vrcp.f32 v4  }
0x4c: {  	v3 =	vsel vm0, v15, v3;
	v15 =	vld [tilespmem:s28+$0x2080];
	v5 =	vmin.f32 v20, $1.000000000e+00;
	v57 =	vadd.f32 $3.333333430e-01, v21  }
0x4d: {  	v4 =	vsel vm3, v18, v8;
	v8 =	vld [tilespmem:s28+$0x2180];
	v56 =	vsub.f32 $1.000000000e+00, v5  }
0x4e: {  	v58 =	vmul.f32 $6.250000000e-02, v6;
	v60 =	vld [tilespmem:s28+$0x2100];
	vm0 =	vlt.f32 v11, v14;
	v13 =	vmul.f32 v57, v13  }
0x4f: {  	v12 =	vadd.f32 v12, v12;
	v11 =	vld [tilespmem:s28+$0x2280];
	v6 =	vsel vm0, $0x3F800000, v0;
	(erf) = vrcp.f32 v56  }
0x50: {  	v9 =	vmul.f32 $6.931471820e-01, v9;
	v59 =	vadd.f32 $1.000000000e+00, v6;
	v13 =	vadd.f32 $1.000000000e+00, v13  }
0x51: {  	v62 =	vadd.f32 $-1.000000000e+00, v10;
	vm2 =	vlt.f32 v55, v14;
	vm1 =	vlt.f32 v15, v14  }
0x52: {  	v15 =	vsel vm1, v59, v6;
	vm1 =	vlt.f32 v8, v14;
	v6 =	vsel vm2, $0x3F800000, v0;
	v8 =	vld [tilespmem:s28+$0x2300]  }
0x53: {  	vm3 =	vlt.f32 v60, v14;
	v61 =	vadd.f32 $1.000000000e+00, v6;
	v12 =	vmul.f32 v13, v12  }
0x54: {  	v3 =	vadd.f32 v3, v16;
	vm0 =	vlt.f32 v19, v14;
	vm2 =	vlt.f32 v11, v14;
	v13 =	vpop (erf)  }
0x55: {  	v18 =	vadd.f32 $1.000000000e+00, v15;
	v10 =	vsel vm2, v61, v6;
	v9 =	vadd.f32 v12, v9;
	v6 =	vpop (erf)  }
0x56: {  	v11 =	vadd.f32 $1.000000000e+00, v10;
	v63 =	vmul.f32 v13, v7;
	v6 =	vmul.f32 v6, v62  }
0x57: {  	v7 =	vsel vm3, v18, v15;
	vm4 =	vlt.f32 v8, v14;
	v12 =	vmul.f32 v9, v58  }
0x58: {  	s26 =	simm.s32 $0x40;
	v8 =	vpop (erf);
	v13 =	vshra.s32 v63, $0x17;
	v14 =	vand.u32 $0x7FFFFF, v63;
	v9 =	vmul.f32 v6, v6  }
.LBB2_3:
0x59: {  	s23 =	sadd.s32 $0x10, s23;
	v15 =	vld [tilespmem:s26+$0x0];
	s24 =	sadd.s32 $0x80, s24;
	s25 =	sadd.s32 $0x1, s25;
	v13 =	vadd.s32 $0xFFFFFF81, v13;
	v14 =	vor.u32 $0x3F800000, v14;
	v1 =	vadd.f32 v12, v1  }
0x5a: {  	s28 =	sand.u32 $0x7, s25;
	s29 =	sand.u32 $0x70, s23;
	s30 =	sand.u32 $0x7C00, s24;
	vm2 =	vgt.f32 v14, $1.414213540e+00;
	v12 =	vmul.f32 $5.000000000e-01, v14;
	v16 =	vmul.f32 $1.428571490e-01, v9  }
0x5b: {  	v17 =	vadd.f32 $1.000000000e+00, v7;
	v10 =	vsel vm4, v11, v10;
	p0 =	slt.u32 s23, $0xFF0;
	v11 =	vcvt.s32.f32 v13;
	s28 =	sshll.u32 s28, $0x4;
	s29 =	sor.u32 s29, s30  }
0x5c: {  	v18 =	vadd.f32 $1.000000000e+00, v10;
	s28 =	sadd.s32 s28, s24;
	v13 =	vld [tilespmem:s29+$0x2000];
	v12 =	vsel vm2, v12, v14;
	v14 =	vadd.f32 $2.000000030e-01, v16  }
0x5d: {  	v7 =	vsel vm1, v17, v7;
	v17 =	vadd.f32 $1.000000000e+00, v11;
	v16 =	vld [tilespmem:s29+$0x2200];
	s28 =	sor.u32 $0x380, s28;
	v19 =	vadd.f32 $1.000000000e+00, v12  }
0x5e: {  	v10 =	vsel vm0, v18, v10;
	v20 =	vld [tilespmem:s28+$0x2000];
	v21 =	vmax.f32 v15, $9.999999930e-09;
	v14 =	vmul.f32 v14, v9  }
0x5f: {  	v11 =	vsel vm2, v17, v11;
	v18 =	vld [tilespmem:s29+$0x2080];
	v21 =	vmin.f32 v21, $1.000000000e+00;
	(erf) = vrcp.f32 v19  }
0x60: {  	v17 =	vld [tilespmem:s29+$0x2180];
	v19 =	vsub.f32 $1.000000000e+00, v21;
	v14 =	vadd.f32 $3.333333430e-01, v14  }
0x61: {  	vm0 =	vlt.f32 v13, v15;
	v13 =	vmul.f32 $6.250000000e-02, v2;
	v2 =	vmovc v3;
	v3 =	vadd.f32 v10, v7  }
0x62: {  	v7 =	vsel vm0, $0x3F800000, v0;
	v10 =	vld [tilespmem:s29+$0x2280];
	(erf) = vrcp.f32 v19;
	v9 =	vmul.f32 v14, v9  }
0x63: {  	vm2 =	vlt.f32 v16, v15;
	v14 =	vadd.f32 $1.000000000e+00, v7;
	v19 =	vld [tilespmem:s29+$0x2100];
	vm0 =	vlt.f32 v20, v15  }
0x64: {  	v6 =	vadd.f32 v6, v6;
	vm1 =	vlt.f32 v18, v15;
	v9 =	vadd.f32 $1.000000000e+00, v9  }
0x65: {  	v7 =	vsel vm1, v14, v7;
	vm1 =	vlt.f32 v17, v15;
	v14 =	vsel vm2, $0x3F800000, v0;
	v16 =	vld [tilespmem:s29+$0x2300]  }
0x66: {  	v17 =	vadd.f32 $1.000000000e+00, v14;
	v6 =	vmul.f32 v9, v6;
	v9 =	vmul.f32 $6.931471820e-01, v4;
	v4 =	vmovc v11  }
.Ltmp0:
0x67: {  	v12 =	vadd.f32 $-1.000000000e+00, v12;
	v18 =	vadd.f32 $1.000000000e+00, v7;
	vm2 =	vlt.f32 v10, v15;
	(pc) =	sbr.rel @p0 .LBB2_3-.Ltmp0, $4  }
0x68: {  	vm3 =	vlt.f32 v19, v15;
	v10 =	vsel vm2, v17, v14;
	v14 =	vpop (erf);
	v9 =	vadd.f32 v6, v9  }
0x69: {  	v17 =	vmul.f32 v8, v5;
	v5 =	vmovc v21;
	v11 =	vadd.f32 $1.000000000e+00, v10;
	v6 =	vmul.f32 v14, v12  }
0x6a: {  	v7 =	vsel vm3, v18, v7;
	vm4 =	vlt.f32 v16, v15;
	v12 =	vmul.f32 v9, v13  }
0x6b: {  	s26 =	sadd.s32 $0x10, s26;
	v13 =	vshra.s32 v17, $0x17;
	v14 =	vand.u32 $0x7FFFFF, v17;
	v8 =	vpop (erf);
	v9 =	vmul.f32 v6, v6  }
0x6c: {  	v5 =	vmul.f32 v8, v5  }
0x6d: {  	v8 =	vor.u32 $0x3F800000, v14  }
0x6e: {  	v15 =	vmul.f32 $5.000000000e-01, v8;
	v14 =	vand.u32 $0x7FFFFF, v5  }
0x6f: {  	vm3 =	vgt.f32 v8, $1.414213540e+00;
	v14 =	vor.u32 $0x3F800000, v14  }
0x70: {  	v8 =	vsel vm3, v15, v8;
	v16 =	vmul.f32 $5.000000000e-01, v14  }
0x71: {  	vm2 =	vgt.f32 v14, $1.414213540e+00;
	v15 =	vadd.f32 $1.000000000e+00, v8  }
0x72: {  	v14 =	vsel vm2, v16, v14  }
0x73: {  	(erf) = vrcp.f32 v15;
	v16 =	vadd.f32 $1.000000000e+00, v14;
	_ =	sdelay $0x1  }
0x74: {  	(erf) = vrcp.f32 v16;
	_ =	sdelay $0x1  }
0x75: {  	v15 =	vmul.f32 $1.428571490e-01, v9;
	_ =	sdelay $0x1  }
0x76: {  	v15 =	vadd.f32 $2.000000030e-01, v15;
	_ =	sdelay $0x1  }
0x77: {  	v8 =	vadd.f32 $-1.000000000e+00, v8;
	v15 =	vmul.f32 v15, v9  }
0x78: {  	v46 =	vpop (erf)  }
0x79: {  	v15 =	vadd.f32 $3.333333430e-01, v15;
	v8 =	vmul.f32 v46, v8  }
0x7a: {  	v47 =	vpop (erf)  }
0x7b: {  	v9 =	vmul.f32 v15, v9;
	v15 =	vmul.f32 v8, v8;
	_ =	swait.ge [sflag:s16], $0x1000  }
0x7c: {  	v10 =	vsel vm4, v11, v10;
	v11 =	vadd.f32 $-1.000000000e+00, v14;
	[sflag:s16] =	ssyncset.done $0x0  }
0x7d: {  	p0 =	seq.s32 s21, $0x3;
	v6 =	vadd.f32 v6, v6;
	v9 =	vadd.f32 $1.000000000e+00, v9;
	v14 =	vmul.f32 $1.428571490e-01, v15;
	[sflag:s16] =	ssyncadd.s32 $0xFFFFF000  }
0x7e: {  	v13 =	vadd.s32 $0xFFFFFF81, v13;
	v17 =	vadd.f32 $1.000000000e+00, v7;
	s22 =	sadd.s32 @!p0 s22, s7;
	v11 =	vmul.f32 v47, v11;
	_ =	swait.ge [sflag:s17], $0x8000  }
0x7f: {  	v4 =	vmul.f32 $6.931471820e-01, v4;
	s23 =	sshrl.u32 @!p0 s22, $0x3;
	v6 =	vmul.f32 v9, v6;
	v9 =	vadd.f32 $2.000000030e-01, v14;
	[sflag:s17] =	ssyncset.done $0x0  }
0x80: {  	v1 =	vadd.f32 v12, v1;
	v2 =	vmul.f32 $6.250000000e-02, v2;
	s24 =	simm.s32 @!p0 $0x0;
	s23 =	sadd.s32 @!p0 s1, s23;
	v12 =	vmul.f32 v11, v11;
	[sflag:s17] =	ssyncadd.s32 $0xFFFF8000  }
0x81: {  	v13 =	vcvt.s32.f32 v13;
	v4 =	vadd.f32 v6, v4;
	v9 =	vmul.f32 v9, v15;
	[tilespmem:s24], [sflag:$0x1] =	stream.linear.gather @!p0 [hbm4b:s23+s24], $0x1000, $0x38;
	[tilespmem:$0x12080] =	vst v63  }
0x82: {  	s30 =	simm.s32 $0x1000;
	v7 =	vsel vm1, v17, v7;
	s22 =	sadd.s32 @!p0 s22, s5;
	v14 =	vadd.f32 $1.000000000e+00, v10;
	v6 =	vmul.f32 $1.428571490e-01, v12;
	s23 =	simm.s32 @!p0 $0x2000  }
0x83: {  	v2 =	vmul.f32 v4, v2;
	v4 =	vshra.s32 v5, $0x17;
	v9 =	vadd.f32 $3.333333430e-01, v9;
	[tilespmem:s23], [sflag:$0x3] =	stream.linear.gather @!p0 [hbm4b:s22+s24], $0x8000, $0x38;
	[tilespmem:$0x12080] =	vst v63  }
0x84: {  	s31 =	simm.s32 $0x0;
	s25 =	simm.s32 $0x0;
	v48 =	vadd.f32 $1.000000000e+00, v13;
	v4 =	vadd.s32 $0xFFFFFF81, v4;
	v5 =	vadd.f32 $2.000000030e-01, v6;
	v6 =	vld [tilespmem:s30+$0x0]  }
0x85: {  	s26 =	sand.u32 $0x70, s25;
	s28 =	sand.u32 $0x7C00, s31;
	v10 =	vsel vm0, v14, v10;
	v1 =	vadd.f32 v2, v1;
	v9 =	vmul.f32 v9, v15  }
0x86: {  	v2 =	vcvt.s32.f32 v4;
	v7 =	vadd.f32 v10, v7;
	v4 =	vmul.f32 v5, v12;
	s22 =	sor.u32 s26, s28  }
0x87: {  	v5 =	vadd.f32 v8, v8;
	v8 =	vadd.f32 $1.000000000e+00, v9;
	v9 =	vld [tilespmem:s22+$0xA000]  }
0x88: {  	v10 =	vsel vm3, v48, v13;
	v13 =	vadd.f32 $1.000000000e+00, v2;
	v14 =	vld [tilespmem:s22+$0xA200];
	v4 =	vadd.f32 $3.333333430e-01, v4  }
0x89: {  	v5 =	vmul.f32 v8, v5;
	v8 =	vmul.f32 $6.931471820e-01, v10;
	v10 =	vmax.f32 v6, $9.999999930e-09  }
0x8a: {  	v3 =	vmul.f32 $6.250000000e-02, v3;
	v4 =	vmul.f32 v4, v12;
	v12 =	vld [tilespmem:s22+$0xA080];
	v10 =	vmin.f32 v10, $1.000000000e+00  }
0x8b: {  	v2 =	vsel vm2, v13, v2;
	v13 =	vld [tilespmem:s22+$0xA280];
	v5 =	vadd.f32 v5, v8;
	v8 =	vsub.f32 $1.000000000e+00, v10  }
0x8c: {  	v11 =	vadd.f32 v11, v11;
	v4 =	vadd.f32 $1.000000000e+00, v4;
	vm0 =	vlt.f32 v9, v6  }
0x8d: {  	s23 =	sand.u32 $0x7, s31;
	v9 =	vsel vm0, $0x3F800000, v0;
	vm0 =	vlt.f32 v14, v6;
	(erf) = vrcp.f32 v8;
	v8 =	vld [tilespmem:s22+$0xA100]  }
0x8e: {  	s23 =	sshll.u32 s23, $0x4;
	v15 =	vld [tilespmem:s22+$0xA300];
	v3 =	vmul.f32 v5, v3;
	v5 =	vadd.f32 $1.000000000e+00, v9;
	v14 =	vsel vm0, $0x3F800000, v0  }
0x8f: {  	s29 =	simm.s32 $0x1010;
	s23 =	sadd.s32 $0x0, s23;
	v4 =	vmul.f32 v4, v11;
	v11 =	vld [tilespmem:s22+$0xA180];
	vm0 =	vlt.f32 v12, v6;
	v12 =	vadd.f32 $1.000000000e+00, v14  }
0x90: {  	s31 =	simm.s32 $0x80;
	s30 =	simm.s32 $0x10;
	v2 =	vmul.f32 $6.931471820e-01, v2;
	s23 =	sor.u32 $0x380, s23;
	v5 =	vsel vm0, v5, v9;
	vm0 =	vlt.f32 v13, v6;
	v9 =	vld [tilespmem:s29+$0x0]  }
0x91: {  	v7 =	vmul.f32 $6.250000000e-02, v7;
	s24 =	sand.u32 $0x70, s30;
	s22 =	sand.u32 $0x7C00, s31;
	v13 =	vld [tilespmem:s23+$0xA000];
	v49 =	vadd.f32 $1.000000000e+00, v5;
	v12 =	vsel vm0, v12, v14  }
0x92: {  	v2 =	vadd.f32 v4, v2;
	s22 =	sor.u32 s24, s22;
	v4 =	vadd.f32 $1.000000000e+00, v12;
	vm0 =	vlt.f32 v8, v6  }
0x93: {  	v1 =	vadd.f32 v3, v1;
	v3 =	vsel vm0, v49, v5;
	vm0 =	vlt.f32 v15, v6;
	v5 =	vld [tilespmem:s22+$0xA000]  }
0x94: {  	v2 =	vmul.f32 v2, v7;
	v4 =	vsel vm0, v4, v12  }
0x95: {  	v7 =	vadd.f32 $1.000000000e+00, v3;
	vm0 =	vlt.f32 v11, v6;
	v11 =	vld [tilespmem:s22+$0xA200];
	v8 =	vadd.f32 $1.000000000e+00, v4  }
0x96: {  	v12 =	vmax.f32 v9, $9.999999930e-09;
	vm1 =	vlt.f32 v13, v6  }
0x97: {  	v12 =	vmin.f32 v12, $1.000000000e+00;
	v6 =	vpop (erf);
	v3 =	vsel vm0, v7, v3;
	v7 =	vld [tilespmem:s22+$0xA080];
	v4 =	vsel vm1, v8, v4  }
0x98: {  	v8 =	vsub.f32 $1.000000000e+00, v12;
	v10 =	vmul.f32 v6, v10;
	vm0 =	vlt.f32 v5, v9  }
0x99: {  	s25 =	simm.s32 $0x1;
	v1 =	vadd.f32 v2, v1;
	v2 =	vld [tilespmem:s22+$0xA280];
	v6 =	vadd.f32 v4, v3;
	v3 =	vsel vm0, $0x3F800000, v0  }
0x9a: {  	s23 =	sand.u32 $0x7, s25;
	v4 =	vld [tilespmem:s22+$0xA100];
	(erf) = vrcp.f32 v8;
	v5 =	vand.u32 $0x7FFFFF, v10;
	vm0 =	vlt.f32 v11, v9  }
0x9b: {  	s23 =	sshll.u32 s23, $0x4;
	v10 =	vshra.s32 v10, $0x17;
	v8 =	vadd.f32 $1.000000000e+00, v3;
	v5 =	vor.u32 $0x3F800000, v5  }
0x9c: {  	s23 =	sadd.s32 $0x80, s23;
	v11 =	vld [tilespmem:s22+$0xA300];
	vm1 =	vlt.f32 v7, v9;
	v7 =	vsel vm0, $0x3F800000, v0;
	v13 =	vmul.f32 $5.000000000e-01, v5  }
0x9d: {  	s26 =	simm.s32 $0x20;
	s28 =	simm.s32 $0x100;
	s23 =	sor.u32 $0x380, s23;
	v15 =	vld [tilespmem:s22+$0xA180];
	vm0 =	vgt.f32 v5, $1.414213540e+00;
	v3 =	vsel vm1, v8, v3;
	v8 =	vadd.f32 $1.000000000e+00, v7  }
0x9e: {  	s24 =	sand.u32 $0x7C00, s28;
	s29 =	simm.s32 $0x1020;
	v14 =	vld [tilespmem:s23+$0xA000];
	s23 =	sand.u32 $0x70, s26;
	vm1 =	vlt.f32 v2, v9;
	v50 =	vadd.f32 $1.000000000e+00, v3;
	v5 =	vsel vm0, v13, v5  }
0x9f: {  	s23 =	sor.u32 s23, s24;
	vm2 =	vlt.f32 v4, v9;
	v4 =	vld [tilespmem:s29+$0x0];
	v2 =	vsel vm1, v8, v7;
	v7 =	vadd.f32 $1.000000000e+00, v5  }
0xa0: {  	v10 =	vadd.s32 $0xFFFFFF81, v10;
	v13 =	vld [tilespmem:s23+$0xA000];
	v8 =	vadd.f32 $1.000000000e+00, v2  }
0xa1: {  	vm1 =	vlt.f32 v11, v9;
	v3 =	vsel vm2, v50, v3;
	(erf) = vrcp.f32 v7  }
0xa2: {  	s30 =	simm.s32 $0x2;
	vm2 =	vlt.f32 v15, v9;
	v7 =	vadd.f32 $1.000000000e+00, v3;
	v2 =	vsel vm1, v8, v2  }
0xa3: {  	s22 =	sand.u32 $0x7, s30;
	v8 =	vcvt.s32.f32 v10;
	v10 =	vld [tilespmem:s23+$0xA200];
	vm1 =	vlt.f32 v14, v9;
	v9 =	vadd.f32 $1.000000000e+00, v2  }
0xa4: {  	s22 =	sshll.u32 s22, $0x4;
	v11 =	vld [tilespmem:s23+$0xA080];
	v3 =	vsel vm2, v7, v3;
	v15 =	vmax.f32 v4, $9.999999930e-09  }
0xa5: {  	s22 =	sadd.s32 $0x100, s22;
	v7 =	vadd.f32 $1.000000000e+00, v8;
	v2 =	vsel vm1, v9, v2;
	vm1 =	vlt.f32 v13, v4;
	v13 =	vld [tilespmem:s23+$0xA280]  }
0xa6: {  	v52 =	vld [tilespmem:s23+$0xA100];
	s22 =	sor.u32 $0x380, s22;
	v5 =	vadd.f32 $-1.000000000e+00, v5;
	v9 =	vmin.f32 v15, $1.000000000e+00  }
0xa7: {  	v14 =	vld [tilespmem:s22+$0xA000];
	v7 =	vsel vm0, v7, v8;
	v15 =	vsub.f32 $1.000000000e+00, v9;
	v51 =	vsel vm1, $0x3F800000, v0  }
0xa8: {  	v8 =	vld [tilespmem:s23+$0xA180];
	v2 =	vadd.f32 v2, v3;
	v3 =	vadd.f32 $1.000000000e+00, v51;
	vm0 =	vlt.f32 v10, v4  }
0xa9: {  	vm1 =	vlt.f32 v11, v4;
	v11 =	vpop (erf);
	(erf) = vrcp.f32 v15;
	v10 =	vsel vm0, $0x3F800000, v0;
	v15 =	vld [tilespmem:s23+$0xA300]  }
0xaa: {  	v3 =	vsel vm1, v3, v51;
	v53 =	vadd.f32 $1.000000000e+00, v10;
	vm1 =	vlt.f32 v13, v4;
	v13 =	vpop (erf)  }
0xab: {  	vm2 =	vlt.f32 v52, v4;
	v11 =	vmul.f32 v11, v12;
	v12 =	vmul.f32 v13, v5  }
0xac: {  	vm0 =	vlt.f32 v14, v4;
	v14 =	vadd.f32 $1.000000000e+00, v3;
	v10 =	vsel vm1, v53, v10  }
0xad: {  	vm1 =	vlt.f32 v8, v4;
	v8 =	vand.u32 $0x7FFFFF, v11;
	v13 =	vmul.f32 v12, v12  }
0xae: {  	s31 =	simm.s32 $0x1030;
	v3 =	vsel vm2, v14, v3;
	v8 =	vor.u32 $0x3F800000, v8;
	vm2 =	vlt.f32 v15, v4  }
0xaf: {  	s22 =	simm.s32 $0x30;
	s23 =	simm.s32 $0x180;
	v14 =	vld [tilespmem:s31+$0x0];
	v4 =	vshra.s32 v11, $0x17;
	v11 =	vmul.f32 $5.000000000e-01, v8;
	v15 =	vmul.f32 $1.428571490e-01, v13  }
0xb0: {  	s26 =	sand.u32 $0x70, s22;
	s28 =	sand.u32 $0x7C00, s23;
	v5 =	vadd.f32 $1.000000000e+00, v10;
	vm3 =	vgt.f32 v8, $1.414213540e+00  }
0xb1: {  	s24 =	simm.s32 $0x3;
	s26 =	sor.u32 s26, s28;
	v54 =	vadd.f32 $1.000000000e+00, v3;
	v8 =	vsel vm3, v11, v8;
	v11 =	vadd.f32 $2.000000030e-01, v15  }
0xb2: {  	s25 =	sand.u32 $0x7, s24;
	v12 =	vadd.f32 v12, v12;
	v5 =	vsel vm2, v5, v10;
	v10 =	vld [tilespmem:s26+$0xA000];
	v56 =	vadd.f32 $1.000000000e+00, v8  }
0xb3: {  	s25 =	sshll.u32 s25, $0x4;
	v4 =	vadd.s32 $0xFFFFFF81, v4;
	v15 =	vadd.f32 $1.000000000e+00, v5;
	v11 =	vmul.f32 v11, v13  }
0xb4: {  	s25 =	sadd.s32 $0x180, s25;
	v55 =	vld [tilespmem:s26+$0xA200];
	v4 =	vcvt.s32.f32 v4;
	v20 =	vmax.f32 v14, $9.999999930e-09;
	(erf) = vrcp.f32 v56  }
0xb5: {  	s25 =	sor.u32 $0x380, s25;
	v21 =	vld [tilespmem:s26+$0xA080];
	v15 =	vsel vm0, v15, v5;
	v5 =	vmin.f32 v20, $1.000000000e+00;
	v11 =	vadd.f32 $3.333333430e-01, v11  }
0xb6: {  	v19 =	vld [tilespmem:s25+$0xA000];
	v3 =	vsel vm1, v54, v3;
	v8 =	vadd.f32 $-1.000000000e+00, v8;
	v58 =	vsub.f32 $1.000000000e+00, v5  }
0xb7: {  	v59 =	vld [tilespmem:s26+$0xA100];
	vm0 =	vlt.f32 v10, v14;
	v3 =	vadd.f32 v15, v3;
	v11 =	vmul.f32 v11, v13  }
0xb8: {  	v10 =	vld [tilespmem:s26+$0xA280];
	v15 =	vmul.f32 $6.250000000e-02, v6;
	v6 =	vsel vm0, $0x3F800000, v0;
	(erf) = vrcp.f32 v58  }
0xb9: {  	v7 =	vmul.f32 $6.931471820e-01, v7;
	v57 =	vld [tilespmem:s26+$0xA180];
	v13 =	vadd.f32 $1.000000000e+00, v6;
	v11 =	vadd.f32 $1.000000000e+00, v11  }
0xba: {  	v18 =	vadd.f32 $1.000000000e+00, v4;
	vm2 =	vlt.f32 v55, v14;
	vm1 =	vlt.f32 v21, v14  }
0xbb: {  	v60 =	vld [tilespmem:s26+$0xA300];
	v13 =	vsel vm1, v13, v6;
	v6 =	vsel vm2, $0x3F800000, v0;
	v11 =	vmul.f32 v11, v12  }
0xbc: {  	v4 =	vsel vm3, v18, v4;
	vm3 =	vlt.f32 v59, v14;
	v61 =	vadd.f32 $1.000000000e+00, v6  }
0xbd: {  	vm2 =	vlt.f32 v10, v14;
	v62 =	vadd.f32 $1.000000000e+00, v13;
	v12 =	vpop (erf);
	v7 =	vadd.f32 v11, v7  }
0xbe: {  	vm0 =	vlt.f32 v19, v14;
	vm1 =	vlt.f32 v57, v14;
	v10 =	vsel vm2, v61, v6;
	v6 =	vpop (erf)  }
0xbf: {  	v63 =	vmul.f32 v12, v9;
	v9 =	vsel vm3, v62, v13;
	v6 =	vmul.f32 v6, v8  }
0xc0: {  	vm2 =	vlt.f32 v60, v14;
	v11 =	vadd.f32 $1.000000000e+00, v10;
	v12 =	vmul.f32 v7, v15  }
0xc1: {  	s25 =	simm.s32 $0x1040;
	v13 =	vshra.s32 v63, $0x17;
	v14 =	vand.u32 $0x7FFFFF, v63;
	v8 =	vmul.f32 v6, v6;
	v7 =	vpop (erf)  }
.LBB2_5:
0xc2: {  	s22 =	sadd.s32 $0x10, s22;
	v15 =	vld [tilespmem:s25+$0x0];
	s23 =	sadd.s32 $0x80, s23;
	s24 =	sadd.s32 $0x1, s24;
	v13 =	vadd.s32 $0xFFFFFF81, v13;
	v14 =	vor.u32 $0x3F800000, v14;
	v1 =	vadd.f32 v12, v1  }
0xc3: {  	s26 =	sand.u32 $0x7, s24;
	s28 =	sand.u32 $0x70, s22;
	s29 =	sand.u32 $0x7C00, s23;
	vm3 =	vgt.f32 v14, $1.414213540e+00;
	v12 =	vmul.f32 $5.000000000e-01, v14;
	v16 =	vmul.f32 $1.428571490e-01, v8  }
0xc4: {  	v17 =	vadd.f32 $1.000000000e+00, v9;
	v10 =	vsel vm2, v11, v10;
	p0 =	slt.u32 s22, $0xFF0;
	v11 =	vcvt.s32.f32 v13;
	s26 =	sshll.u32 s26, $0x4;
	s28 =	sor.u32 s28, s29  }
0xc5: {  	v18 =	vadd.f32 $1.000000000e+00, v10;
	s26 =	sadd.s32 s26, s23;
	v13 =	vld [tilespmem:s28+$0xA000];
	v12 =	vsel vm3, v12, v14;
	v14 =	vadd.f32 $2.000000030e-01, v16  }
0xc6: {  	v9 =	vsel vm1, v17, v9;
	v17 =	vadd.f32 $1.000000000e+00, v11;
	v16 =	vld [tilespmem:s28+$0xA200];
	s26 =	sor.u32 $0x380, s26;
	v19 =	vadd.f32 $1.000000000e+00, v12  }
0xc7: {  	v10 =	vsel vm0, v18, v10;
	v20 =	vld [tilespmem:s26+$0xA000];
	v21 =	vmax.f32 v15, $9.999999930e-09;
	v14 =	vmul.f32 v14, v8  }
0xc8: {  	v11 =	vsel vm3, v17, v11;
	v18 =	vld [tilespmem:s28+$0xA080];
	v21 =	vmin.f32 v21, $1.000000000e+00;
	(erf) = vrcp.f32 v19  }
0xc9: {  	v17 =	vld [tilespmem:s28+$0xA180];
	v19 =	vsub.f32 $1.000000000e+00, v21;
	v14 =	vadd.f32 $3.333333430e-01, v14  }
0xca: {  	vm0 =	vlt.f32 v13, v15;
	v13 =	vmul.f32 $6.250000000e-02, v2;
	v2 =	vmovc v3;
	v3 =	vadd.f32 v10, v9  }
0xcb: {  	v9 =	vsel vm0, $0x3F800000, v0;
	v10 =	vld [tilespmem:s28+$0xA280];
	(erf) = vrcp.f32 v19;
	v8 =	vmul.f32 v14, v8  }
0xcc: {  	vm2 =	vlt.f32 v16, v15;
	v14 =	vadd.f32 $1.000000000e+00, v9;
	v19 =	vld [tilespmem:s28+$0xA100];
	vm0 =	vlt.f32 v20, v15  }
0xcd: {  	v6 =	vadd.f32 v6, v6;
	vm1 =	vlt.f32 v18, v15;
	v8 =	vadd.f32 $1.000000000e+00, v8  }
0xce: {  	v9 =	vsel vm1, v14, v9;
	vm1 =	vlt.f32 v17, v15;
	v14 =	vsel vm2, $0x3F800000, v0;
	v16 =	vld [tilespmem:s28+$0xA300]  }
0xcf: {  	v17 =	vadd.f32 $1.000000000e+00, v14;
	v6 =	vmul.f32 v8, v6;
	v8 =	vmul.f32 $6.931471820e-01, v4;
	v4 =	vmovc v11  }
.Ltmp1:
0xd0: {  	v12 =	vadd.f32 $-1.000000000e+00, v12;
	v18 =	vadd.f32 $1.000000000e+00, v9;
	vm2 =	vlt.f32 v10, v15;
	(pc) =	sbr.rel @p0 .LBB2_5-.Ltmp1, $4  }
0xd1: {  	vm3 =	vlt.f32 v19, v15;
	v10 =	vsel vm2, v17, v14;
	v14 =	vpop (erf);
	v8 =	vadd.f32 v6, v8  }
0xd2: {  	v17 =	vmul.f32 v7, v5;
	v5 =	vmovc v21;
	v11 =	vadd.f32 $1.000000000e+00, v10;
	v6 =	vmul.f32 v14, v12  }
0xd3: {  	v9 =	vsel vm3, v18, v9;
	vm2 =	vlt.f32 v16, v15;
	v12 =	vmul.f32 v8, v13  }
0xd4: {  	s25 =	sadd.s32 $0x10, s25;
	v13 =	vshra.s32 v17, $0x17;
	v14 =	vand.u32 $0x7FFFFF, v17;
	v7 =	vpop (erf);
	v8 =	vmul.f32 v6, v6  }
0xd5: {  	v5 =	vmul.f32 v7, v5  }
0xd6: {  	v14 =	vor.u32 $0x3F800000, v14  }
0xd7: {  	v41 =	vmul.f32 $5.000000000e-01, v14;
	v15 =	vand.u32 $0x7FFFFF, v5  }
0xd8: {  	vm4 =	vgt.f32 v14, $1.414213540e+00;
	v42 =	vor.u32 $0x3F800000, v15  }
0xd9: {  	v7 =	vsel vm4, v41, v14;
	v16 =	vmul.f32 $5.000000000e-01, v42  }
0xda: {  	v43 =	vadd.f32 $1.000000000e+00, v7;
	vm3 =	vgt.f32 v42, $1.414213540e+00  }
0xdb: {  	v14 =	vsel vm3, v16, v42  }
0xdc: {  	(erf) = vrcp.f32 v43;
	v44 =	vadd.f32 $1.000000000e+00, v14;
	_ =	sdelay $0x1  }
0xdd: {  	(erf) = vrcp.f32 v44;
	_ =	sdelay $0x5  }
0xde: {  	v7 =	vadd.f32 $-1.000000000e+00, v7  }
0xdf: {  	v45 =	vpop (erf)  }
0xe0: {  	v14 =	vadd.f32 $-1.000000000e+00, v14;
	v7 =	vmul.f32 v45, v7  }
0xe1: {  	v46 =	vmul.f32 $1.428571490e-01, v8;
	v17 =	vpop (erf)  }
0xe2: {  	v48 =	vmul.f32 v7, v7;
	v14 =	vmul.f32 v17, v14  }
0xe3: {  	v10 =	vsel vm2, v11, v10;
	v13 =	vadd.s32 $0xFFFFFF81, v13;
	v47 =	vadd.f32 $2.000000030e-01, v46  }
0xe4: {  	v1 =	vadd.f32 v12, v1;
	v50 =	vmul.f32 $1.428571490e-01, v48;
	v51 =	vmul.f32 v14, v14  }
0xe5: {  	v52 =	vadd.f32 $1.000000000e+00, v9;
	v6 =	vadd.f32 v6, v6;
	v49 =	vmul.f32 v47, v8  }
0xe6: {  	v4 =	vmul.f32 $6.931471820e-01, v4;
	v15 =	vadd.f32 $2.000000030e-01, v50;
	v19 =	vmul.f32 $1.428571490e-01, v51  }
0xe7: {  	v2 =	vmul.f32 $6.250000000e-02, v2;
	v13 =	vcvt.s32.f32 v13;
	v11 =	vadd.f32 $3.333333430e-01, v49  }
0xe8: {  	v18 =	vadd.f32 $1.000000000e+00, v10;
	v15 =	vmul.f32 v15, v48;
	v19 =	vadd.f32 $2.000000030e-01, v19  }
0xe9: {  	v9 =	vsel vm1, v52, v9;
	v5 =	vshra.s32 v5, $0x17;
	v53 =	vmul.f32 v11, v8  }
0xea: {  	v54 =	vadd.f32 $1.000000000e+00, v13;
	v15 =	vadd.f32 $3.333333430e-01, v15;
	v55 =	vmul.f32 v19, v51  }
0xeb: {  	v10 =	vsel vm0, v18, v10;
	v5 =	vadd.s32 $0xFFFFFF81, v5;
	v8 =	vadd.f32 $1.000000000e+00, v53  }
0xec: {  	v11 =	vsel vm4, v54, v13;
	v56 =	vmul.f32 v15, v48;
	v13 =	vadd.f32 $3.333333430e-01, v55  }
0xed: {  	v5 =	vcvt.s32.f32 v5;
	v9 =	vadd.f32 v10, v9;
	v6 =	vmul.f32 v8, v6  }
0xee: {  	v7 =	vadd.f32 v7, v7;
	v8 =	vadd.f32 $1.000000000e+00, v56;
	v57 =	vmul.f32 v13, v51  }
0xef: {  	v58 =	vadd.f32 $1.000000000e+00, v5;
	v59 =	vmul.f32 $6.931471820e-01, v11;
	v4 =	vadd.f32 v6, v4  }
0xf0: {  	v60 =	vadd.f32 v14, v14;
	v7 =	vmul.f32 v8, v7;
	v10 =	vadd.f32 $1.000000000e+00, v57  }
0xf1: {  	v3 =	vmul.f32 $6.250000000e-02, v3;
	v61 =	vsel vm3, v58, v5;
	v2 =	vmul.f32 v4, v2  }
0xf2: {  	v4 =	vmul.f32 $6.931471820e-01, v61;
	v62 =	vadd.f32 v7, v59;
	v63 =	vmul.f32 v10, v60  }
0xf3: {  	s21 =	sadd.s32 $0x1, s21;
	v1 =	vadd.f32 v2, v1  }
0xf4: {  	p0 =	sne.s32 s21, $0x4;
	v2 =	vmul.f32 v62, v3;
	v3 =	vmul.f32 $6.250000000e-02, v9;
	v4 =	vadd.f32 v63, v4  }
.Ltmp2:
0xf5: {  	_ = 	snop;
	(pc) =	sbr.rel @p0 .LBB2_2-.Ltmp2, $2  }
0xf6: {  	v1 =	vadd.f32 v2, v1;
	v2 =	vmul.f32 v4, v3;
	_ =	sdelay $0x1  }
0xf7: {  	v1 =	vadd.f32 v2, v1;
	_ =	sdelay $0x1  }
0xf8: {  	s20 =	sadd.s32 $0x1, s20  }
0xf9: {  	p0 =	sne.s32 s20, s9  }
.Ltmp3:
0xfa: {  	[tilespmem:$0x12000] =	vst v1;
	(pc) =	sbr.rel @p0 .LBB2_1-.Ltmp3, $4  }
0xfb: {  	[hbm4b:s8+s3] =	stream.linear.scatter [tilespmem:s18], [sflag:$0x5], $0x80, $0x38;
	[tilespmem:$0x12080] =	vst v63  }
0xfc: {  	_ =	swait.ge [sflag:s19], $0x80  }
0xfd: {  	[sflag:s19] =	ssyncset.done $0x0  }
0xfe: {  	[sflag:s19] =	ssyncadd.s32 $0xFFFFFF80  }
0xff: {  	_ =	sfence.sel $0x180000  }
0x100: {  	[bflag:$0x0] =	sbarrier.arrive $0xFFFF  }
0x101: {  	p0 =	sne.s32 s2, $0x0;
	_ =	strace $0x90000047  }
0x102: {  	s0 =	sadd.s32 @!p0 $0x100000, s0;
	[bflag:$0x2] =	sbarrier.arrive $0xFFFF  }
0x103: {  	[sflag:s0] =	ssyncadd.tile.s32 @!p0 $0x1;
	_ =	shalt  }
.Lfunc_end2:
_tile_overlayer_lowered:
.L_overlay_start_2:
0x104: {  	(tag) =	ssettag $0x2  }
0x105: {  	s0 =	rddreg [dreg:$0x0];
	s2 =	stileid.u32  }
0x106: {  	s1 =	rddreg [dreg:$0x1];
	p0 =	sne.s32 s2, $0x0  }
0x107: {  	s3 =	rddreg [dreg:$0x2];
	[bflag:$0x3] =	sbarrier.arrive $0xFFFF;
	s2 =	simm.s32 @!p0 $0x1C06  }
0x108: {  	[timem:s3], [sflag:s2] =	dma.local @!p0 [hbm:s0], s1  }
0x109: {  	s0 =	simm.s32 @!p0 $0x6  }
0x10a: {  	_ =	swait.ge @!p0 [sflag:s0], s1  }
0x10b: {  	s1 =	ssub.s32 @!p0 $0x0, s1;
	[sflag:s0] =	ssyncset.done @!p0 $0x0  }
0x10c: {  	[sflag:s0] =	ssyncadd.s32 @!p0 s1  }
0x10d: {  	[bflag:$0x3] =	sbarrier.arrive $0xFFFF  }
0x10e: {  	_ =	shalt  }

</sc_bundles>
